<compile_context>
chip_gen: v7x
topology: tpu7x:2x2x1
jax: 0.10.2.dev20260603
libtpu: 0.0.44.dev20260713+nightly
codegen_flags: <defaults>
</compile_context>

<pallas_src>
import functools

import jax
import jax.numpy as jnp
from jax import lax
from jax.experimental import pallas as pl
from jax.experimental.pallas import tpu as pltpu
from jax.experimental.pallas import tpu_sc as plsc

N = 65536
B = 16
M = 4096
K = 64
NC = 2
NS = 16
NW = NC * NS
ROWS = B * M
ROWS_PER_W = ROWS // NW
CHUNK = 128
NCHUNK = ROWS_PER_W // CHUNK
GROUPS = CHUNK // 16
L = 16
KU = 16


def _sc_weighted_gather(x, idx_t, w_t):
    mesh = plsc.VectorSubcoreMesh(core_axis_name="c", subcore_axis_name="s")

    @functools.partial(
        pl.kernel,
        out_type=jax.ShapeDtypeStruct((B, M), jnp.float32),
        mesh=mesh,
        compiler_params=pltpu.CompilerParams(needs_layout_passes=False),
        scratch_types=[
            pltpu.VMEM((N,), jnp.float32),
            pltpu.VMEM((K, CHUNK), jnp.int32),
            pltpu.VMEM((K, CHUNK), jnp.int32),
            pltpu.VMEM((K, CHUNK), jnp.float32),
            pltpu.VMEM((K, CHUNK), jnp.float32),
            pltpu.VMEM((ROWS_PER_W,), jnp.float32),
            pltpu.SemaphoreType.DMA,
            pltpu.SemaphoreType.DMA,
        ],
    )
    def k(x_hbm, idx_hbm, w_hbm, u_hbm, x_v, idx_v0, idx_v1, w_v0, w_v1,
          u_v, sem_i, sem_w):
        idx_bufs = (idx_v0, idx_v1)
        w_bufs = (w_v0, w_v1)
        wid = lax.axis_index("s") * NC + lax.axis_index("c")
        brow = wid * ROWS_PER_W // M
        m0 = (wid * ROWS_PER_W) % M

        def dma_pair(c, slot):
            ms = m0 + c * CHUNK
            hi = pltpu.make_async_copy(
                idx_hbm.at[brow, :, pl.ds(ms, CHUNK)], idx_bufs[slot], sem_i)
            hw = pltpu.make_async_copy(
                w_hbm.at[brow, :, pl.ds(ms, CHUNK)], w_bufs[slot], sem_w)
            return hi, hw

        hi0, hw0 = dma_pair(0, 0)
        hi0.start()
        hw0.start()
        pltpu.sync_copy(x_hbm, x_v)

        def compute_chunk(c, slot):
            idx_c = idx_bufs[slot]
            w_c = w_bufs[slot]

            def group_body(g, _):
                g16 = g * 16
                zero = jnp.zeros((L,), jnp.float32)

                def kblock(kb, accs):
                    accs = list(accs)
                    kbase = kb * KU
                    for t in range(KU):
                        iv = idx_c[kbase + t, pl.ds(g16, 16)]
                        wv = w_c[kbase + t, pl.ds(g16, 16)]
                        xg = plsc.load_gather(x_v, [iv])
                        accs[t % 4] = accs[t % 4] + xg * wv
                    return tuple(accs)

                accs = lax.fori_loop(
                    0, K // KU, kblock, (zero, zero, zero, zero))
                acc = (accs[0] + accs[1]) + (accs[2] + accs[3])
                u_v[pl.ds(c * CHUNK + g16, 16)] = acc
                return 0

            lax.fori_loop(0, GROUPS, group_body, 0)

        def pair_body(j, _):
            c0 = j * 2
            hi, hw = dma_pair(c0 + 1, 1)
            hi.start()
            hw.start()
            hi, hw = dma_pair(c0, 0)
            hi.wait()
            hw.wait()
            compute_chunk(c0, 0)

            @pl.when(c0 + 2 < NCHUNK)
            def _start_next():
                hi2, hw2 = dma_pair(c0 + 2, 0)
                hi2.start()
                hw2.start()

            hi, hw = dma_pair(c0 + 1, 1)
            hi.wait()
            hw.wait()
            compute_chunk(c0 + 1, 1)
            return 0

        lax.fori_loop(0, NCHUNK // 2, pair_body, 0)
        pltpu.sync_copy(u_v, u_hbm.at[brow, pl.ds(m0, ROWS_PER_W)])

    return k(x, idx_t, w_t)


def _tc_loss_body(u_ref, cdf_ref, out_ref):
    u = u_ref[...]
    s = jnp.log1p(jnp.exp(u))
    t = (s[:, 1:] + s[:, :-1]) * 0.5
    trap = jnp.sum(t, axis=-1, keepdims=True)
    c = jnp.concatenate([jnp.zeros((B, 1), jnp.float32), t], axis=1)
    sh = 1
    while sh < M:
        c = c + jnp.concatenate(
            [jnp.zeros((B, sh), jnp.float32), c[:, :-sh]], axis=1)
        sh *= 2
    cdf_u = c[:, 1:] / trap
    d = cdf_ref[...] - cdf_u
    out_ref[0, 0] = jnp.sum(d * d) / (B * (M - 1))


def _tc_loss(u2d, cdf):
    out = pl.pallas_call(
        _tc_loss_body,
        out_shape=jax.ShapeDtypeStruct((1, 1), jnp.float32),
        out_specs=pl.BlockSpec(memory_space=pltpu.SMEM),
    )(u2d, cdf)
    return out[0, 0]


def kernel(x, weights, indices, cdf):
    idx_t = jnp.transpose(indices.astype(jnp.int32), (0, 2, 1))
    w_t = jnp.transpose(weights, (0, 2, 1))
    u = _sc_weighted_gather(x, idx_t, w_t)
    return _tc_loss(u, cdf)

# --- scband reference (transcript-rebuilt; emitter-appended) ---
"""Pipeline reference for scband-slicer-loss-52853867544952 (READ-ONLY COPY).

The authoritative reference and input builder live on the scoring server;
editing this copy changes nothing except your own understanding.
"""

import jax, jax.numpy as jnp
import numpy as np

SCALE = 1.0

def get_cdf(f, scale=SCALE):
    # u = log(1 + exp(scale*f)) / scale, normalized by trapezoid integral (dx=1)
    u = jnp.log1p(jnp.exp(scale * f)) / scale
    trap = jnp.sum((u[..., 1:] + u[..., :-1]) * 0.5, axis=-1, keepdims=True)
    u = u / trap
    # cumulative trapezoid, dx=1, along last dim -> length reduced by 1
    cdf = jnp.cumsum((u[..., 1:] + u[..., :-1]) * 0.5, axis=-1)
    return cdf

def setup_inputs(seed: int = 0) -> dict:
    key = jax.random.key(seed)
    k1, k2, k3, k4 = jax.random.split(key, 4)
    N = 65536   # domain points = 256 rec_loc x 256 t
    B = 16      # number of embedding slices
    M = 4096    # points per embedding slice
    K = 64      # num_neighbors
    x = jax.random.normal(k1, (N,), dtype=jnp.float32)
    indices = jax.random.randint(k2, (B, M, K), 0, N, dtype=jnp.int64)
    w = jax.random.uniform(k3, (B, M, K), dtype=jnp.float32) + 1e-6
    weights = w / jnp.sum(w, axis=-1, keepdims=True)  # normalized KNN inverse-distance weights (precomputed in __init__)
    data = jax.random.normal(k4, (B, M), dtype=jnp.float32)
    cdf = get_cdf(data)  # precomputed reference CDF buffer from __init__ (MyW1.cdf)
    return {"x": x, "weights": weights, "indices": indices, "cdf": cdf}

def reference(x, weights, indices, cdf):
    # weighted_average: KNN gather of function values at precomputed neighbor indices
    F = jnp.take(x, indices, axis=0)           # [B, M, K]
    u = jnp.sum(F * weights, axis=-1)          # [B, M]
    # MyW1: W1-style loss = MSE between precomputed CDF and CDF of projected values
    cdf_u = get_cdf(u)                         # [B, M-1]
    return jnp.mean((cdf - cdf_u) ** 2)

if __name__ == "__main__":
    import jax
    _d = setup_inputs()
    print(jax.jit(kernel)(*tuple(_d.values())))

</pallas_src>

<mosaic_0001>
#map = affine_map<(d0, d1) -> (0)>
#map1 = affine_map<(d0, d1) -> (0, 0, 0)>
#map2 = affine_map<(d0, d1) -> (0, 0)>
module attributes {stable_mosaic.version = 14 : i64} {
  func.func @k(%arg0: i32, %arg1: i32, %arg2: memref<65536xf32, #tpu.memory_space<hbm>>, %arg3: memref<16x64x4096xi32, #tpu.memory_space<hbm>>, %arg4: memref<16x64x4096xf32, #tpu.memory_space<hbm>>, %arg5: memref<16x4096xf32, #tpu.memory_space<hbm>>, %arg6: memref<65536xf32, #tpu.memory_space<vmem>>, %arg7: memref<64x128xi32, #tpu.memory_space<vmem>>, %arg8: memref<64x128xi32, #tpu.memory_space<vmem>>, %arg9: memref<64x128xf32, #tpu.memory_space<vmem>>, %arg10: memref<64x128xf32, #tpu.memory_space<vmem>>, %arg11: memref<2048xf32, #tpu.memory_space<vmem>>, %arg12: memref<!tpu.dma_semaphore, #tpu.memory_space<semaphore_mem>>, %arg13: memref<!tpu.dma_semaphore, #tpu.memory_space<semaphore_mem>>) attributes {dimension_semantics = [#tpu.dimension_semantics<core_parallel>, #tpu.dimension_semantics<subcore_parallel>], iteration_bounds = array<i64: 2, 16>, scalar_prefetch = 0 : i64, scratch_operands = 8 : i64, tpu.core_type = #tpu.core_type<sc_vector_subcore>, window_params = [{transform_indices = #map}, {transform_indices = #map1}, {transform_indices = #map1}, {transform_indices = #map2}]} {
    %mul3A = arith.constant 2 : i32
    %mul3A_0 = arith.muli %arg1, %mul3A : i32
    %add3A = arith.addi %mul3A_0, %arg0 : i32
    %mul3A_1 = arith.constant 2048 : i32
    %mul3A_2 = arith.muli %add3A, %mul3A_1 : i32
    %jit3A = arith.constant 4096 : i32
    %div3A = arith.divsi %mul3A_2, %jit3A : i32
    %sign3A = arith.constant 0 : i32
    %sign3A_3 = arith.cmpi sgt, %mul3A_2, %sign3A : i32
    %sign3A_4 = arith.extui %sign3A_3 : i1 to i32
    %sign3A_5 = arith.constant 0 : i32
    %sign3A_6 = arith.cmpi slt, %mul3A_2, %sign3A_5 : i32
    %sign3A_7 = arith.extui %sign3A_6 : i1 to i32
    %sign3A_8 = arith.subi %sign3A_4, %sign3A_7 : i32
    %sign3A_9 = arith.constant 0 : i32
    %sign3A_10 = arith.cmpi sgt, %jit3A, %sign3A_9 : i32
    %sign3A_11 = arith.extui %sign3A_10 : i1 to i32
    %sign3A_12 = arith.constant 0 : i32
    %sign3A_13 = arith.cmpi slt, %jit3A, %sign3A_12 : i32
    %sign3A_14 = arith.extui %sign3A_13 : i1 to i32
    %sign3A_15 = arith.subi %sign3A_11, %sign3A_14 : i32
    %ne3A = arith.cmpi ne, %sign3A_8, %sign3A_15 : i32
    %rem3A = arith.remsi %mul3A_2, %jit3A : i32
    %ne3A_16 = arith.constant 0 : i32
    %ne3A_17 = arith.cmpi ne, %rem3A, %ne3A_16 : i32
    %and3A = arith.andi %ne3A, %ne3A_17 : i1
    %sub3A = arith.constant 1 : i32
    %sub3A_18 = arith.subi %div3A, %sub3A : i32
    %select_n3A = arith.select %and3A, %sub3A_18, %div3A : i32
    %mul3A_19 = arith.constant 2048 : i32
    %mul3A_20 = arith.muli %add3A, %mul3A_19 : i32
    %jit3A_21 = arith.constant 4096 : i32
    %eq3A = arith.constant 0 : i32
    %eq3A_22 = arith.cmpi eq, %jit3A_21, %eq3A : i32
    %jit3A_23 = arith.constant 1 : i32
    %select_n3A_24 = arith.select %eq3A_22, %jit3A_23, %jit3A_21 : i32
    %rem3A_25 = arith.remsi %mul3A_20, %select_n3A_24 : i32
    %ne3A_26 = arith.constant 0 : i32
    %ne3A_27 = arith.cmpi ne, %rem3A_25, %ne3A_26 : i32
    %lt3A = arith.constant 0 : i32
    %lt3A_28 = arith.cmpi slt, %rem3A_25, %lt3A : i32
    %lt3A_29 = arith.constant 0 : i32
    %lt3A_30 = arith.cmpi slt, %select_n3A_24, %lt3A_29 : i32
    %ne3A_31 = arith.xori %lt3A_28, %lt3A_30 : i1
    %and3A_32 = arith.andi %ne3A_31, %ne3A_27 : i1
    %add3A_33 = arith.addi %rem3A_25, %select_n3A_24 : i32
    %select_n3A_34 = arith.select %and3A_32, %add3A_33, %rem3A_25 : i32
    %add3A_35 = arith.constant 0 : i32
    %add3A_36 = arith.addi %select_n3A_34, %add3A_35 : i32
    %dma_start3A = arith.constant 0 : i32
    %dma_start3A_37 = tpu.memref_slice %arg3[%select_n3A, %dma_start3A, %add3A_36] : memref<16x64x4096xi32, #tpu.memory_space<hbm>> -> memref<1x64x128xi32, #tpu.memory_space<hbm>>
    %dma_start3A_38 = tpu.memref_squeeze %dma_start3A_37 : memref<1x64x128xi32, #tpu.memory_space<hbm>> -> memref<64x128xi32, #tpu.memory_space<hbm>>
    %dma_start3A_39 = arith.constant 0 : i32
    %dma_start3A_40 = tpu.memref_slice %arg3[%select_n3A, %dma_start3A_39, %add3A_36] : memref<16x64x4096xi32, #tpu.memory_space<hbm>> -> memref<1x64x128xi32, #tpu.memory_space<hbm>>
    %dma_start3A_41 = tpu.memref_squeeze %dma_start3A_40 : memref<1x64x128xi32, #tpu.memory_space<hbm>> -> memref<64x128xi32, #tpu.memory_space<hbm>>
    tpu.enqueue_dma source(%dma_start3A_41 : memref<64x128xi32, #tpu.memory_space<hbm>>) target(%arg7 : memref<64x128xi32, #tpu.memory_space<vmem>>) target_semaphore(%arg12 : memref<!tpu.dma_semaphore, #tpu.memory_space<semaphore_mem>>)
    %dma_start3A_42 = arith.constant 0 : i32
    %dma_start3A_43 = tpu.memref_slice %arg4[%select_n3A, %dma_start3A_42, %add3A_36] : memref<16x64x4096xf32, #tpu.memory_space<hbm>> -> memref<1x64x128xf32, #tpu.memory_space<hbm>>
    %dma_start3A_44 = tpu.memref_squeeze %dma_start3A_43 : memref<1x64x128xf32, #tpu.memory_space<hbm>> -> memref<64x128xf32, #tpu.memory_space<hbm>>
    %dma_start3A_45 = arith.constant 0 : i32
    %dma_start3A_46 = tpu.memref_slice %arg4[%select_n3A, %dma_start3A_45, %add3A_36] : memref<16x64x4096xf32, #tpu.memory_space<hbm>> -> memref<1x64x128xf32, #tpu.memory_space<hbm>>
    %dma_start3A_47 = tpu.memref_squeeze %dma_start3A_46 : memref<1x64x128xf32, #tpu.memory_space<hbm>> -> memref<64x128xf32, #tpu.memory_space<hbm>>
    tpu.enqueue_dma source(%dma_start3A_47 : memref<64x128xf32, #tpu.memory_space<hbm>>) target(%arg9 : memref<64x128xf32, #tpu.memory_space<vmem>>) target_semaphore(%arg13 : memref<!tpu.dma_semaphore, #tpu.memory_space<semaphore_mem>>)
    "tpu.region"() ({
      %run_scoped3A = tpu.sem_alloc : memref<!tpu.dma_semaphore, #tpu.memory_space<semaphore_mem>>
      tpu.enqueue_dma source(%arg2 : memref<65536xf32, #tpu.memory_space<hbm>>) target(%arg6 : memref<65536xf32, #tpu.memory_space<vmem>>) target_semaphore(%run_scoped3A : memref<!tpu.dma_semaphore, #tpu.memory_space<semaphore_mem>>)
      tpu.wait_dma2 semaphore(%run_scoped3A : memref<!tpu.dma_semaphore, #tpu.memory_space<semaphore_mem>>) src(%arg2 : memref<65536xf32, #tpu.memory_space<hbm>>) dst(%arg6 : memref<65536xf32, #tpu.memory_space<vmem>>)
      tpu.yield
    }) : () -> ()
    %scan3A = arith.constant 0 : i32
    %scan3A_48 = arith.constant 0 : i32
    %scan3A_49 = arith.constant 8 : i32
    %scan3A_50 = arith.addi %scan3A_48, %scan3A_49 : i32
    %scan3A_51 = arith.constant 1 : i32
    %scan3A_52 = scf.for %scan3A_54 = %scan3A_48 to %scan3A_50 step %scan3A_51 iter_args(%scan3A_55 = %scan3A) -> (i32)  : i32 {
      %mul3A_56 = arith.constant 2 : i32
      %mul3A_57 = arith.muli %scan3A_54, %mul3A_56 : i32
      %add3A_58 = arith.constant 1 : i32
      %add3A_59 = arith.addi %mul3A_57, %add3A_58 : i32
      %mul3A_60 = arith.constant 128 : i32
      %mul3A_61 = arith.muli %add3A_59, %mul3A_60 : i32
      %add3A_62 = arith.addi %select_n3A_34, %mul3A_61 : i32
      %dma_start3A_63 = arith.constant 0 : i32
      %dma_start3A_64 = tpu.memref_slice %arg3[%select_n3A, %dma_start3A_63, %add3A_62] : memref<16x64x4096xi32, #tpu.memory_space<hbm>> -> memref<1x64x128xi32, #tpu.memory_space<hbm>>
      %dma_start3A_65 = tpu.memref_squeeze %dma_start3A_64 : memref<1x64x128xi32, #tpu.memory_space<hbm>> -> memref<64x128xi32, #tpu.memory_space<hbm>>
      %dma_start3A_66 = arith.constant 0 : i32
      %dma_start3A_67 = tpu.memref_slice %arg3[%select_n3A, %dma_start3A_66, %add3A_62] : memref<16x64x4096xi32, #tpu.memory_space<hbm>> -> memref<1x64x128xi32, #tpu.memory_space<hbm>>
      %dma_start3A_68 = tpu.memref_squeeze %dma_start3A_67 : memref<1x64x128xi32, #tpu.memory_space<hbm>> -> memref<64x128xi32, #tpu.memory_space<hbm>>
      tpu.enqueue_dma source(%dma_start3A_68 : memref<64x128xi32, #tpu.memory_space<hbm>>) target(%arg8 : memref<64x128xi32, #tpu.memory_space<vmem>>) target_semaphore(%arg12 : memref<!tpu.dma_semaphore, #tpu.memory_space<semaphore_mem>>)
      %dma_start3A_69 = arith.constant 0 : i32
      %dma_start3A_70 = tpu.memref_slice %arg4[%select_n3A, %dma_start3A_69, %add3A_62] : memref<16x64x4096xf32, #tpu.memory_space<hbm>> -> memref<1x64x128xf32, #tpu.memory_space<hbm>>
      %dma_start3A_71 = tpu.memref_squeeze %dma_start3A_70 : memref<1x64x128xf32, #tpu.memory_space<hbm>> -> memref<64x128xf32, #tpu.memory_space<hbm>>
      %dma_start3A_72 = arith.constant 0 : i32
      %dma_start3A_73 = tpu.memref_slice %arg4[%select_n3A, %dma_start3A_72, %add3A_62] : memref<16x64x4096xf32, #tpu.memory_space<hbm>> -> memref<1x64x128xf32, #tpu.memory_space<hbm>>
      %dma_start3A_74 = tpu.memref_squeeze %dma_start3A_73 : memref<1x64x128xf32, #tpu.memory_space<hbm>> -> memref<64x128xf32, #tpu.memory_space<hbm>>
      tpu.enqueue_dma source(%dma_start3A_74 : memref<64x128xf32, #tpu.memory_space<hbm>>) target(%arg10 : memref<64x128xf32, #tpu.memory_space<vmem>>) target_semaphore(%arg13 : memref<!tpu.dma_semaphore, #tpu.memory_space<semaphore_mem>>)
      %mul3A_75 = arith.constant 128 : i32
      %mul3A_76 = arith.muli %mul3A_57, %mul3A_75 : i32
      %add3A_77 = arith.addi %select_n3A_34, %mul3A_76 : i32
      %dma_wait3A = arith.constant 0 : i32
      %dma_wait3A_78 = tpu.memref_slice %arg3[%select_n3A, %dma_wait3A, %add3A_77] : memref<16x64x4096xi32, #tpu.memory_space<hbm>> -> memref<1x64x128xi32, #tpu.memory_space<hbm>>
      %dma_wait3A_79 = tpu.memref_squeeze %dma_wait3A_78 : memref<1x64x128xi32, #tpu.memory_space<hbm>> -> memref<64x128xi32, #tpu.memory_space<hbm>>
      %dma_wait3A_80 = arith.constant 0 : i32
      %dma_wait3A_81 = tpu.memref_slice %arg3[%select_n3A, %dma_wait3A_80, %add3A_77] : memref<16x64x4096xi32, #tpu.memory_space<hbm>> -> memref<1x64x128xi32, #tpu.memory_space<hbm>>
      %dma_wait3A_82 = tpu.memref_squeeze %dma_wait3A_81 : memref<1x64x128xi32, #tpu.memory_space<hbm>> -> memref<64x128xi32, #tpu.memory_space<hbm>>
      tpu.wait_dma2 semaphore(%arg12 : memref<!tpu.dma_semaphore, #tpu.memory_space<semaphore_mem>>) src(%dma_wait3A_82 : memref<64x128xi32, #tpu.memory_space<hbm>>) dst(%arg7 : memref<64x128xi32, #tpu.memory_space<vmem>>)
      %dma_wait3A_83 = arith.constant 0 : i32
      %dma_wait3A_84 = tpu.memref_slice %arg4[%select_n3A, %dma_wait3A_83, %add3A_77] : memref<16x64x4096xf32, #tpu.memory_space<hbm>> -> memref<1x64x128xf32, #tpu.memory_space<hbm>>
      %dma_wait3A_85 = tpu.memref_squeeze %dma_wait3A_84 : memref<1x64x128xf32, #tpu.memory_space<hbm>> -> memref<64x128xf32, #tpu.memory_space<hbm>>
      %dma_wait3A_86 = arith.constant 0 : i32
      %dma_wait3A_87 = tpu.memref_slice %arg4[%select_n3A, %dma_wait3A_86, %add3A_77] : memref<16x64x4096xf32, #tpu.memory_space<hbm>> -> memref<1x64x128xf32, #tpu.memory_space<hbm>>
      %dma_wait3A_88 = tpu.memref_squeeze %dma_wait3A_87 : memref<1x64x128xf32, #tpu.memory_space<hbm>> -> memref<64x128xf32, #tpu.memory_space<hbm>>
      tpu.wait_dma2 semaphore(%arg13 : memref<!tpu.dma_semaphore, #tpu.memory_space<semaphore_mem>>) src(%dma_wait3A_88 : memref<64x128xf32, #tpu.memory_space<hbm>>) dst(%arg9 : memref<64x128xf32, #tpu.memory_space<vmem>>)
      %scan3A_89 = arith.constant 0 : i32
      %scan3A_90 = arith.constant 0 : i32
      %scan3A_91 = arith.constant 8 : i32
      %scan3A_92 = arith.addi %scan3A_90, %scan3A_91 : i32
      %scan3A_93 = arith.constant 1 : i32
      %scan3A_94 = scf.for %scan3A_128 = %scan3A_90 to %scan3A_92 step %scan3A_93 iter_args(%scan3A_129 = %scan3A_89) -> (i32)  : i32 {
        %mul3A_130 = arith.constant 16 : i32
        %mul3A_131 = arith.muli %scan3A_128, %mul3A_130 : i32
        %broadcast_in_dim3A = arith.constant 0.000000e+00 : f32
        %broadcast_in_dim3A_132 = vector.broadcast %broadcast_in_dim3A : f32 to vector<16xf32>
        %scan3A_133 = arith.constant 0 : i32
        %scan3A_134 = arith.constant 4 : i32
        %scan3A_135 = arith.addi %scan3A_133, %scan3A_134 : i32
        %scan3A_136 = arith.constant 1 : i32
        %scan3A_137:4 = scf.for %scan3A_147 = %scan3A_133 to %scan3A_135 step %scan3A_136 iter_args(%scan3A_148 = %broadcast_in_dim3A_132, %scan3A_149 = %broadcast_in_dim3A_132, %scan3A_150 = %broadcast_in_dim3A_132, %scan3A_151 = %broadcast_in_dim3A_132) -> (vector<16xf32>, vector<16xf32>, vector<16xf32>, vector<16xf32>)  : i32 {
          %mul3A_152 = arith.constant 16 : i32
          %mul3A_153 = arith.muli %scan3A_147, %mul3A_152 : i32
          %add3A_154 = arith.constant 0 : i32
          %add3A_155 = arith.addi %mul3A_153, %add3A_154 : i32
          %get3A = arith.index_cast %add3A_155 : i32 to index
          %get3A_156 = arith.index_cast %mul3A_131 : i32 to index
          %get3A_157 = tpu.vector_load %arg7[%get3A, %get3A_156] {strides = array<i32>} : memref<64x128xi32, #tpu.memory_space<vmem>>, vector<16xi32>,
          %add3A_158 = arith.constant 0 : i32
          %add3A_159 = arith.addi %mul3A_153, %add3A_158 : i32
          %get3A_160 = arith.index_cast %add3A_159 : i32 to index
          %get3A_161 = arith.index_cast %mul3A_131 : i32 to index
          %get3A_162 = tpu.vector_load %arg9[%get3A_160, %get3A_161] {strides = array<i32>} : memref<64x128xf32, #tpu.memory_space<vmem>>, vector<16xf32>,
          %gather3A = tpu.vector_load_idx %arg6[%get3A_157] : memref<65536xf32, #tpu.memory_space<vmem>>[vector<16xi32>], vector<16xf32>,
          %mul3A_163 = arith.mulf %gather3A, %get3A_162 : vector<16xf32>
          %add3A_164 = arith.addf %scan3A_148, %mul3A_163 : vector<16xf32>
          %add3A_165 = arith.constant 1 : i32
          %add3A_166 = arith.addi %mul3A_153, %add3A_165 : i32
          %get3A_167 = arith.index_cast %add3A_166 : i32 to index
          %get3A_168 = arith.index_cast %mul3A_131 : i32 to index
          %get3A_169 = tpu.vector_load %arg7[%get3A_167, %get3A_168] {strides = array<i32>} : memref<64x128xi32, #tpu.memory_space<vmem>>, vector<16xi32>,
          %add3A_170 = arith.constant 1 : i32
          %add3A_171 = arith.addi %mul3A_153, %add3A_170 : i32
          %get3A_172 = arith.index_cast %add3A_171 : i32 to index
          %get3A_173 = arith.index_cast %mul3A_131 : i32 to index
          %get3A_174 = tpu.vector_load %arg9[%get3A_172, %get3A_173] {strides = array<i32>} : memref<64x128xf32, #tpu.memory_space<vmem>>, vector<16xf32>,
          %gather3A_175 = tpu.vector_load_idx %arg6[%get3A_169] : memref<65536xf32, #tpu.memory_space<vmem>>[vector<16xi32>], vector<16xf32>,
          %mul3A_176 = arith.mulf %gather3A_175, %get3A_174 : vector<16xf32>
          %add3A_177 = arith.addf %scan3A_149, %mul3A_176 : vector<16xf32>
          %add3A_178 = arith.constant 2 : i32
          %add3A_179 = arith.addi %mul3A_153, %add3A_178 : i32
          %get3A_180 = arith.index_cast %add3A_179 : i32 to index
          %get3A_181 = arith.index_cast %mul3A_131 : i32 to index
          %get3A_182 = tpu.vector_load %arg7[%get3A_180, %get3A_181] {strides = array<i32>} : memref<64x128xi32, #tpu.memory_space<vmem>>, vector<16xi32>,
          %add3A_183 = arith.constant 2 : i32
          %add3A_184 = arith.addi %mul3A_153, %add3A_183 : i32
          %get3A_185 = arith.index_cast %add3A_184 : i32 to index
          %get3A_186 = arith.index_cast %mul3A_131 : i32 to index
          %get3A_187 = tpu.vector_load %arg9[%get3A_185, %get3A_186] {strides = array<i32>} : memref<64x128xf32, #tpu.memory_space<vmem>>, vector<16xf32>,
          %gather3A_188 = tpu.vector_load_idx %arg6[%get3A_182] : memref<65536xf32, #tpu.memory_space<vmem>>[vector<16xi32>], vector<16xf32>,
          %mul3A_189 = arith.mulf %gather3A_188, %get3A_187 : vector<16xf32>
          %add3A_190 = arith.addf %scan3A_150, %mul3A_189 : vector<16xf32>
          %add3A_191 = arith.constant 3 : i32
          %add3A_192 = arith.addi %mul3A_153, %add3A_191 : i32
          %get3A_193 = arith.index_cast %add3A_192 : i32 to index
          %get3A_194 = arith.index_cast %mul3A_131 : i32 to index
          %get3A_195 = tpu.vector_load %arg7[%get3A_193, %get3A_194] {strides = array<i32>} : memref<64x128xi32, #tpu.memory_space<vmem>>, vector<16xi32>,
          %add3A_196 = arith.constant 3 : i32
          %add3A_197 = arith.addi %mul3A_153, %add3A_196 : i32
          %get3A_198 = arith.index_cast %add3A_197 : i32 to index
          %get3A_199 = arith.index_cast %mul3A_131 : i32 to index
          %get3A_200 = tpu.vector_load %arg9[%get3A_198, %get3A_199] {strides = array<i32>} : memref<64x128xf32, #tpu.memory_space<vmem>>, vector<16xf32>,
          %gather3A_201 = tpu.vector_load_idx %arg6[%get3A_195] : memref<65536xf32, #tpu.memory_space<vmem>>[vector<16xi32>], vector<16xf32>,
          %mul3A_202 = arith.mulf %gather3A_201, %get3A_200 : vector<16xf32>
          %add3A_203 = arith.addf %scan3A_151, %mul3A_202 : vector<16xf32>
          %add3A_204 = arith.constant 4 : i32
          %add3A_205 = arith.addi %mul3A_153, %add3A_204 : i32
          %get3A_206 = arith.index_cast %add3A_205 : i32 to index
          %get3A_207 = arith.index_cast %mul3A_131 : i32 to index
          %get3A_208 = tpu.vector_load %arg7[%get3A_206, %get3A_207] {strides = array<i32>} : memref<64x128xi32, #tpu.memory_space<vmem>>, vector<16xi32>,
          %add3A_209 = arith.constant 4 : i32
          %add3A_210 = arith.addi %mul3A_153, %add3A_209 : i32
          %get3A_211 = arith.index_cast %add3A_210 : i32 to index
          %get3A_212 = arith.index_cast %mul3A_131 : i32 to index
          %get3A_213 = tpu.vector_load %arg9[%get3A_211, %get3A_212] {strides = array<i32>} : memref<64x128xf32, #tpu.memory_space<vmem>>, vector<16xf32>,
          %gather3A_214 = tpu.vector_load_idx %arg6[%get3A_208] : memref<65536xf32, #tpu.memory_space<vmem>>[vector<16xi32>], vector<16xf32>,
          %mul3A_215 = arith.mulf %gather3A_214, %get3A_213 : vector<16xf32>
          %add3A_216 = arith.addf %add3A_164, %mul3A_215 : vector<16xf32>
          %add3A_217 = arith.constant 5 : i32
          %add3A_218 = arith.addi %mul3A_153, %add3A_217 : i32
          %get3A_219 = arith.index_cast %add3A_218 : i32 to index
          %get3A_220 = arith.index_cast %mul3A_131 : i32 to index
          %get3A_221 = tpu.vector_load %arg7[%get3A_219, %get3A_220] {strides = array<i32>} : memref<64x128xi32, #tpu.memory_space<vmem>>, vector<16xi32>,
          %add3A_222 = arith.constant 5 : i32
          %add3A_223 = arith.addi %mul3A_153, %add3A_222 : i32
          %get3A_224 = arith.index_cast %add3A_223 : i32 to index
          %get3A_225 = arith.index_cast %mul3A_131 : i32 to index
          %get3A_226 = tpu.vector_load %arg9[%get3A_224, %get3A_225] {strides = array<i32>} : memref<64x128xf32, #tpu.memory_space<vmem>>, vector<16xf32>,
          %gather3A_227 = tpu.vector_load_idx %arg6[%get3A_221] : memref<65536xf32, #tpu.memory_space<vmem>>[vector<16xi32>], vector<16xf32>,
          %mul3A_228 = arith.mulf %gather3A_227, %get3A_226 : vector<16xf32>
          %add3A_229 = arith.addf %add3A_177, %mul3A_228 : vector<16xf32>
          %add3A_230 = arith.constant 6 : i32
          %add3A_231 = arith.addi %mul3A_153, %add3A_230 : i32
          %get3A_232 = arith.index_cast %add3A_231 : i32 to index
          %get3A_233 = arith.index_cast %mul3A_131 : i32 to index
          %get3A_234 = tpu.vector_load %arg7[%get3A_232, %get3A_233] {strides = array<i32>} : memref<64x128xi32, #tpu.memory_space<vmem>>, vector<16xi32>,
          %add3A_235 = arith.constant 6 : i32
          %add3A_236 = arith.addi %mul3A_153, %add3A_235 : i32
          %get3A_237 = arith.index_cast %add3A_236 : i32 to index
          %get3A_238 = arith.index_cast %mul3A_131 : i32 to index
          %get3A_239 = tpu.vector_load %arg9[%get3A_237, %get3A_238] {strides = array<i32>} : memref<64x128xf32, #tpu.memory_space<vmem>>, vector<16xf32>,
          %gather3A_240 = tpu.vector_load_idx %arg6[%get3A_234] : memref<65536xf32, #tpu.memory_space<vmem>>[vector<16xi32>], vector<16xf32>,
          %mul3A_241 = arith.mulf %gather3A_240, %get3A_239 : vector<16xf32>
          %add3A_242 = arith.addf %add3A_190, %mul3A_241 : vector<16xf32>
          %add3A_243 = arith.constant 7 : i32
          %add3A_244 = arith.addi %mul3A_153, %add3A_243 : i32
          %get3A_245 = arith.index_cast %add3A_244 : i32 to index
          %get3A_246 = arith.index_cast %mul3A_131 : i32 to index
          %get3A_247 = tpu.vector_load %arg7[%get3A_245, %get3A_246] {strides = array<i32>} : memref<64x128xi32, #tpu.memory_space<vmem>>, vector<16xi32>,
          %add3A_248 = arith.constant 7 : i32
          %add3A_249 = arith.addi %mul3A_153, %add3A_248 : i32
          %get3A_250 = arith.index_cast %add3A_249 : i32 to index
          %get3A_251 = arith.index_cast %mul3A_131 : i32 to index
          %get3A_252 = tpu.vector_load %arg9[%get3A_250, %get3A_251] {strides = array<i32>} : memref<64x128xf32, #tpu.memory_space<vmem>>, vector<16xf32>,
          %gather3A_253 = tpu.vector_load_idx %arg6[%get3A_247] : memref<65536xf32, #tpu.memory_space<vmem>>[vector<16xi32>], vector<16xf32>,
          %mul3A_254 = arith.mulf %gather3A_253, %get3A_252 : vector<16xf32>
          %add3A_255 = arith.addf %add3A_203, %mul3A_254 : vector<16xf32>
          %add3A_256 = arith.constant 8 : i32
          %add3A_257 = arith.addi %mul3A_153, %add3A_256 : i32
          %get3A_258 = arith.index_cast %add3A_257 : i32 to index
          %get3A_259 = arith.index_cast %mul3A_131 : i32 to index
          %get3A_260 = tpu.vector_load %arg7[%get3A_258, %get3A_259] {strides = array<i32>} : memref<64x128xi32, #tpu.memory_space<vmem>>, vector<16xi32>,
          %add3A_261 = arith.constant 8 : i32
          %add3A_262 = arith.addi %mul3A_153, %add3A_261 : i32
          %get3A_263 = arith.index_cast %add3A_262 : i32 to index
          %get3A_264 = arith.index_cast %mul3A_131 : i32 to index
          %get3A_265 = tpu.vector_load %arg9[%get3A_263, %get3A_264] {strides = array<i32>} : memref<64x128xf32, #tpu.memory_space<vmem>>, vector<16xf32>,
          %gather3A_266 = tpu.vector_load_idx %arg6[%get3A_260] : memref<65536xf32, #tpu.memory_space<vmem>>[vector<16xi32>], vector<16xf32>,
          %mul3A_267 = arith.mulf %gather3A_266, %get3A_265 : vector<16xf32>
          %add3A_268 = arith.addf %add3A_216, %mul3A_267 : vector<16xf32>
          %add3A_269 = arith.constant 9 : i32
          %add3A_270 = arith.addi %mul3A_153, %add3A_269 : i32
          %get3A_271 = arith.index_cast %add3A_270 : i32 to index
          %get3A_272 = arith.index_cast %mul3A_131 : i32 to index
          %get3A_273 = tpu.vector_load %arg7[%get3A_271, %get3A_272] {strides = array<i32>} : memref<64x128xi32, #tpu.memory_space<vmem>>, vector<16xi32>,
          %add3A_274 = arith.constant 9 : i32
          %add3A_275 = arith.addi %mul3A_153, %add3A_274 : i32
          %get3A_276 = arith.index_cast %add3A_275 : i32 to index
          %get3A_277 = arith.index_cast %mul3A_131 : i32 to index
          %get3A_278 = tpu.vector_load %arg9[%get3A_276, %get3A_277] {strides = array<i32>} : memref<64x128xf32, #tpu.memory_space<vmem>>, vector<16xf32>,
          %gather3A_279 = tpu.vector_load_idx %arg6[%get3A_273] : memref<65536xf32, #tpu.memory_space<vmem>>[vector<16xi32>], vector<16xf32>,
          %mul3A_280 = arith.mulf %gather3A_279, %get3A_278 : vector<16xf32>
          %add3A_281 = arith.addf %add3A_229, %mul3A_280 : vector<16xf32>
          %add3A_282 = arith.constant 10 : i32
          %add3A_283 = arith.addi %mul3A_153, %add3A_282 : i32
          %get3A_284 = arith.index_cast %add3A_283 : i32 to index
          %get3A_285 = arith.index_cast %mul3A_131 : i32 to index
          %get3A_286 = tpu.vector_load %arg7[%get3A_284, %get3A_285] {strides = array<i32>} : memref<64x128xi32, #tpu.memory_space<vmem>>, vector<16xi32>,
          %add3A_287 = arith.constant 10 : i32
          %add3A_288 = arith.addi %mul3A_153, %add3A_287 : i32
          %get3A_289 = arith.index_cast %add3A_288 : i32 to index
          %get3A_290 = arith.index_cast %mul3A_131 : i32 to index
          %get3A_291 = tpu.vector_load %arg9[%get3A_289, %get3A_290] {strides = array<i32>} : memref<64x128xf32, #tpu.memory_space<vmem>>, vector<16xf32>,
          %gather3A_292 = tpu.vector_load_idx %arg6[%get3A_286] : memref<65536xf32, #tpu.memory_space<vmem>>[vector<16xi32>], vector<16xf32>,
          %mul3A_293 = arith.mulf %gather3A_292, %get3A_291 : vector<16xf32>
          %add3A_294 = arith.addf %add3A_242, %mul3A_293 : vector<16xf32>
          %add3A_295 = arith.constant 11 : i32
          %add3A_296 = arith.addi %mul3A_153, %add3A_295 : i32
          %get3A_297 = arith.index_cast %add3A_296 : i32 to index
          %get3A_298 = arith.index_cast %mul3A_131 : i32 to index
          %get3A_299 = tpu.vector_load %arg7[%get3A_297, %get3A_298] {strides = array<i32>} : memref<64x128xi32, #tpu.memory_space<vmem>>, vector<16xi32>,
          %add3A_300 = arith.constant 11 : i32
          %add3A_301 = arith.addi %mul3A_153, %add3A_300 : i32
          %get3A_302 = arith.index_cast %add3A_301 : i32 to index
          %get3A_303 = arith.index_cast %mul3A_131 : i32 to index
          %get3A_304 = tpu.vector_load %arg9[%get3A_302, %get3A_303] {strides = array<i32>} : memref<64x128xf32, #tpu.memory_space<vmem>>, vector<16xf32>,
          %gather3A_305 = tpu.vector_load_idx %arg6[%get3A_299] : memref<65536xf32, #tpu.memory_space<vmem>>[vector<16xi32>], vector<16xf32>,
          %mul3A_306 = arith.mulf %gather3A_305, %get3A_304 : vector<16xf32>
          %add3A_307 = arith.addf %add3A_255, %mul3A_306 : vector<16xf32>
          %add3A_308 = arith.constant 12 : i32
          %add3A_309 = arith.addi %mul3A_153, %add3A_308 : i32
          %get3A_310 = arith.index_cast %add3A_309 : i32 to index
          %get3A_311 = arith.index_cast %mul3A_131 : i32 to index
          %get3A_312 = tpu.vector_load %arg7[%get3A_310, %get3A_311] {strides = array<i32>} : memref<64x128xi32, #tpu.memory_space<vmem>>, vector<16xi32>,
          %add3A_313 = arith.constant 12 : i32
          %add3A_314 = arith.addi %mul3A_153, %add3A_313 : i32
          %get3A_315 = arith.index_cast %add3A_314 : i32 to index
          %get3A_316 = arith.index_cast %mul3A_131 : i32 to index
          %get3A_317 = tpu.vector_load %arg9[%get3A_315, %get3A_316] {strides = array<i32>} : memref<64x128xf32, #tpu.memory_space<vmem>>, vector<16xf32>,
          %gather3A_318 = tpu.vector_load_idx %arg6[%get3A_312] : memref<65536xf32, #tpu.memory_space<vmem>>[vector<16xi32>], vector<16xf32>,
          %mul3A_319 = arith.mulf %gather3A_318, %get3A_317 : vector<16xf32>
          %add3A_320 = arith.addf %add3A_268, %mul3A_319 : vector<16xf32>
          %add3A_321 = arith.constant 13 : i32
          %add3A_322 = arith.addi %mul3A_153, %add3A_321 : i32
          %get3A_323 = arith.index_cast %add3A_322 : i32 to index
          %get3A_324 = arith.index_cast %mul3A_131 : i32 to index
          %get3A_325 = tpu.vector_load %arg7[%get3A_323, %get3A_324] {strides = array<i32>} : memref<64x128xi32, #tpu.memory_space<vmem>>, vector<16xi32>,
          %add3A_326 = arith.constant 13 : i32
          %add3A_327 = arith.addi %mul3A_153, %add3A_326 : i32
          %get3A_328 = arith.index_cast %add3A_327 : i32 to index
          %get3A_329 = arith.index_cast %mul3A_131 : i32 to index
          %get3A_330 = tpu.vector_load %arg9[%get3A_328, %get3A_329] {strides = array<i32>} : memref<64x128xf32, #tpu.memory_space<vmem>>, vector<16xf32>,
          %gather3A_331 = tpu.vector_load_idx %arg6[%get3A_325] : memref<65536xf32, #tpu.memory_space<vmem>>[vector<16xi32>], vector<16xf32>,
          %mul3A_332 = arith.mulf %gather3A_331, %get3A_330 : vector<16xf32>
          %add3A_333 = arith.addf %add3A_281, %mul3A_332 : vector<16xf32>
          %add3A_334 = arith.constant 14 : i32
          %add3A_335 = arith.addi %mul3A_153, %add3A_334 : i32
          %get3A_336 = arith.index_cast %add3A_335 : i32 to index
          %get3A_337 = arith.index_cast %mul3A_131 : i32 to index
          %get3A_338 = tpu.vector_load %arg7[%get3A_336, %get3A_337] {strides = array<i32>} : memref<64x128xi32, #tpu.memory_space<vmem>>, vector<16xi32>,
          %add3A_339 = arith.constant 14 : i32
          %add3A_340 = arith.addi %mul3A_153, %add3A_339 : i32
          %get3A_341 = arith.index_cast %add3A_340 : i32 to index
          %get3A_342 = arith.index_cast %mul3A_131 : i32 to index
          %get3A_343 = tpu.vector_load %arg9[%get3A_341, %get3A_342] {strides = array<i32>} : memref<64x128xf32, #tpu.memory_space<vmem>>, vector<16xf32>,
          %gather3A_344 = tpu.vector_load_idx %arg6[%get3A_338] : memref<65536xf32, #tpu.memory_space<vmem>>[vector<16xi32>], vector<16xf32>,
          %mul3A_345 = arith.mulf %gather3A_344, %get3A_343 : vector<16xf32>
          %add3A_346 = arith.addf %add3A_294, %mul3A_345 : vector<16xf32>
          %add3A_347 = arith.constant 15 : i32
          %add3A_348 = arith.addi %mul3A_153, %add3A_347 : i32
          %get3A_349 = arith.index_cast %add3A_348 : i32 to index
          %get3A_350 = arith.index_cast %mul3A_131 : i32 to index
          %get3A_351 = tpu.vector_load %arg7[%get3A_349, %get3A_350] {strides = array<i32>} : memref<64x128xi32, #tpu.memory_space<vmem>>, vector<16xi32>,
          %add3A_352 = arith.constant 15 : i32
          %add3A_353 = arith.addi %mul3A_153, %add3A_352 : i32
          %get3A_354 = arith.index_cast %add3A_353 : i32 to index
          %get3A_355 = arith.index_cast %mul3A_131 : i32 to index
          %get3A_356 = tpu.vector_load %arg9[%get3A_354, %get3A_355] {strides = array<i32>} : memref<64x128xf32, #tpu.memory_space<vmem>>, vector<16xf32>,
          %gather3A_357 = tpu.vector_load_idx %arg6[%get3A_351] : memref<65536xf32, #tpu.memory_space<vmem>>[vector<16xi32>], vector<16xf32>,
          %mul3A_358 = arith.mulf %gather3A_357, %get3A_356 : vector<16xf32>
          %add3A_359 = arith.addf %add3A_307, %mul3A_358 : vector<16xf32>
          scf.yield %add3A_320, %add3A_333, %add3A_346, %add3A_359 : vector<16xf32>, vector<16xf32>, vector<16xf32>, vector<16xf32>
        }
        %scan3A_138 = arith.constant 4 : i32
        %add3A_139 = arith.addf %scan3A_137#0, %scan3A_137#1 : vector<16xf32>
        %add3A_140 = arith.addf %scan3A_137#2, %scan3A_137#3 : vector<16xf32>
        %add3A_141 = arith.addf %add3A_139, %add3A_140 : vector<16xf32>
        %mul3A_142 = arith.constant 128 : i32
        %mul3A_143 = arith.muli %mul3A_57, %mul3A_142 : i32
        %add3A_144 = arith.addi %mul3A_143, %mul3A_131 : i32
        %swap3A = arith.index_cast %add3A_144 : i32 to index
        %swap3A_145 = tpu.vector_load %arg11[%swap3A] {strides = array<i32>} : memref<2048xf32, #tpu.memory_space<vmem>>, vector<16xf32>,
        tpu.vector_store %arg11[%swap3A], %add3A_141 {strides = array<i32>} : memref<2048xf32, #tpu.memory_space<vmem>>, vector<16xf32>,
        %scan3A_146 = arith.constant 0 : i32
        scf.yield %scan3A_146 : i32
      }
      %scan3A_95 = arith.constant 8 : i32
      %add3A_96 = arith.constant 2 : i32
      %add3A_97 = arith.addi %mul3A_57, %add3A_96 : i32
      %lt3A_98 = arith.constant 16 : i32
      %lt3A_99 = arith.cmpi slt, %add3A_97, %lt3A_98 : i32
      %convert_element_type3A = arith.extui %lt3A_99 : i1 to i32
      %cond3A = arith.constant 0 : i32
      %cond3A_100 = arith.cmpi ne, %convert_element_type3A, %cond3A : i32
      scf.if %cond3A_100 {
        %add3A_128 = arith.constant 2 : i32
        %add3A_129 = arith.addi %mul3A_57, %add3A_128 : i32
        %mul3A_130 = arith.constant 128 : i32
        %mul3A_131 = arith.muli %add3A_129, %mul3A_130 : i32
        %add3A_132 = arith.addi %select_n3A_34, %mul3A_131 : i32
        %dma_start3A_133 = arith.constant 0 : i32
        %dma_start3A_134 = tpu.memref_slice %arg3[%select_n3A, %dma_start3A_133, %add3A_132] : memref<16x64x4096xi32, #tpu.memory_space<hbm>> -> memref<1x64x128xi32, #tpu.memory_space<hbm>>
        %dma_start3A_135 = tpu.memref_squeeze %dma_start3A_134 : memref<1x64x128xi32, #tpu.memory_space<hbm>> -> memref<64x128xi32, #tpu.memory_space<hbm>>
        %dma_start3A_136 = arith.constant 0 : i32
        %dma_start3A_137 = tpu.memref_slice %arg3[%select_n3A, %dma_start3A_136, %add3A_132] : memref<16x64x4096xi32, #tpu.memory_space<hbm>> -> memref<1x64x128xi32, #tpu.memory_space<hbm>>
        %dma_start3A_138 = tpu.memref_squeeze %dma_start3A_137 : memref<1x64x128xi32, #tpu.memory_space<hbm>> -> memref<64x128xi32, #tpu.memory_space<hbm>>
        tpu.enqueue_dma source(%dma_start3A_138 : memref<64x128xi32, #tpu.memory_space<hbm>>) target(%arg7 : memref<64x128xi32, #tpu.memory_space<vmem>>) target_semaphore(%arg12 : memref<!tpu.dma_semaphore, #tpu.memory_space<semaphore_mem>>)
        %dma_start3A_139 = arith.constant 0 : i32
        %dma_start3A_140 = tpu.memref_slice %arg4[%select_n3A, %dma_start3A_139, %add3A_132] : memref<16x64x4096xf32, #tpu.memory_space<hbm>> -> memref<1x64x128xf32, #tpu.memory_space<hbm>>
        %dma_start3A_141 = tpu.memref_squeeze %dma_start3A_140 : memref<1x64x128xf32, #tpu.memory_space<hbm>> -> memref<64x128xf32, #tpu.memory_space<hbm>>
        %dma_start3A_142 = arith.constant 0 : i32
        %dma_start3A_143 = tpu.memref_slice %arg4[%select_n3A, %dma_start3A_142, %add3A_132] : memref<16x64x4096xf32, #tpu.memory_space<hbm>> -> memref<1x64x128xf32, #tpu.memory_space<hbm>>
        %dma_start3A_144 = tpu.memref_squeeze %dma_start3A_143 : memref<1x64x128xf32, #tpu.memory_space<hbm>> -> memref<64x128xf32, #tpu.memory_space<hbm>>
        tpu.enqueue_dma source(%dma_start3A_144 : memref<64x128xf32, #tpu.memory_space<hbm>>) target(%arg9 : memref<64x128xf32, #tpu.memory_space<vmem>>) target_semaphore(%arg13 : memref<!tpu.dma_semaphore, #tpu.memory_space<semaphore_mem>>)
      } else {
      }
      %add3A_101 = arith.constant 1 : i32
      %add3A_102 = arith.addi %mul3A_57, %add3A_101 : i32
      %mul3A_103 = arith.constant 128 : i32
      %mul3A_104 = arith.muli %add3A_102, %mul3A_103 : i32
      %add3A_105 = arith.addi %select_n3A_34, %mul3A_104 : i32
      %dma_wait3A_106 = arith.constant 0 : i32
      %dma_wait3A_107 = tpu.memref_slice %arg3[%select_n3A, %dma_wait3A_106, %add3A_105] : memref<16x64x4096xi32, #tpu.memory_space<hbm>> -> memref<1x64x128xi32, #tpu.memory_space<hbm>>
      %dma_wait3A_108 = tpu.memref_squeeze %dma_wait3A_107 : memref<1x64x128xi32, #tpu.memory_space<hbm>> -> memref<64x128xi32, #tpu.memory_space<hbm>>
      %dma_wait3A_109 = arith.constant 0 : i32
      %dma_wait3A_110 = tpu.memref_slice %arg3[%select_n3A, %dma_wait3A_109, %add3A_105] : memref<16x64x4096xi32, #tpu.memory_space<hbm>> -> memref<1x64x128xi32, #tpu.memory_space<hbm>>
      %dma_wait3A_111 = tpu.memref_squeeze %dma_wait3A_110 : memref<1x64x128xi32, #tpu.memory_space<hbm>> -> memref<64x128xi32, #tpu.memory_space<hbm>>
      tpu.wait_dma2 semaphore(%arg12 : memref<!tpu.dma_semaphore, #tpu.memory_space<semaphore_mem>>) src(%dma_wait3A_111 : memref<64x128xi32, #tpu.memory_space<hbm>>) dst(%arg8 : memref<64x128xi32, #tpu.memory_space<vmem>>)
      %dma_wait3A_112 = arith.constant 0 : i32
      %dma_wait3A_113 = tpu.memref_slice %arg4[%select_n3A, %dma_wait3A_112, %add3A_105] : memref<16x64x4096xf32, #tpu.memory_space<hbm>> -> memref<1x64x128xf32, #tpu.memory_space<hbm>>
      %dma_wait3A_114 = tpu.memref_squeeze %dma_wait3A_113 : memref<1x64x128xf32, #tpu.memory_space<hbm>> -> memref<64x128xf32, #tpu.memory_space<hbm>>
      %dma_wait3A_115 = arith.constant 0 : i32
      %dma_wait3A_116 = tpu.memref_slice %arg4[%select_n3A, %dma_wait3A_115, %add3A_105] : memref<16x64x4096xf32, #tpu.memory_space<hbm>> -> memref<1x64x128xf32, #tpu.memory_space<hbm>>
      %dma_wait3A_117 = tpu.memref_squeeze %dma_wait3A_116 : memref<1x64x128xf32, #tpu.memory_space<hbm>> -> memref<64x128xf32, #tpu.memory_space<hbm>>
      tpu.wait_dma2 semaphore(%arg13 : memref<!tpu.dma_semaphore, #tpu.memory_space<semaphore_mem>>) src(%dma_wait3A_117 : memref<64x128xf32, #tpu.memory_space<hbm>>) dst(%arg10 : memref<64x128xf32, #tpu.memory_space<vmem>>)
      %add3A_118 = arith.constant 1 : i32
      %add3A_119 = arith.addi %mul3A_57, %add3A_118 : i32
      %scan3A_120 = arith.constant 0 : i32
      %scan3A_121 = arith.constant 0 : i32
      %scan3A_122 = arith.constant 8 : i32
      %scan3A_123 = arith.addi %scan3A_121, %scan3A_122 : i32
      %scan3A_124 = arith.constant 1 : i32
      %scan3A_125 = scf.for %scan3A_128 = %scan3A_121 to %scan3A_123 step %scan3A_124 iter_args(%scan3A_129 = %scan3A_120) -> (i32)  : i32 {
        %mul3A_130 = arith.constant 16 : i32
        %mul3A_131 = arith.muli %scan3A_128, %mul3A_130 : i32
        %broadcast_in_dim3A = arith.constant 0.000000e+00 : f32
        %broadcast_in_dim3A_132 = vector.broadcast %broadcast_in_dim3A : f32 to vector<16xf32>
        %scan3A_133 = arith.constant 0 : i32
        %scan3A_134 = arith.constant 4 : i32
        %scan3A_135 = arith.addi %scan3A_133, %scan3A_134 : i32
        %scan3A_136 = arith.constant 1 : i32
        %scan3A_137:4 = scf.for %scan3A_147 = %scan3A_133 to %scan3A_135 step %scan3A_136 iter_args(%scan3A_148 = %broadcast_in_dim3A_132, %scan3A_149 = %broadcast_in_dim3A_132, %scan3A_150 = %broadcast_in_dim3A_132, %scan3A_151 = %broadcast_in_dim3A_132) -> (vector<16xf32>, vector<16xf32>, vector<16xf32>, vector<16xf32>)  : i32 {
          %mul3A_152 = arith.constant 16 : i32
          %mul3A_153 = arith.muli %scan3A_147, %mul3A_152 : i32
          %add3A_154 = arith.constant 0 : i32
          %add3A_155 = arith.addi %mul3A_153, %add3A_154 : i32
          %get3A = arith.index_cast %add3A_155 : i32 to index
          %get3A_156 = arith.index_cast %mul3A_131 : i32 to index
          %get3A_157 = tpu.vector_load %arg8[%get3A, %get3A_156] {strides = array<i32>} : memref<64x128xi32, #tpu.memory_space<vmem>>, vector<16xi32>,
          %add3A_158 = arith.constant 0 : i32
          %add3A_159 = arith.addi %mul3A_153, %add3A_158 : i32
          %get3A_160 = arith.index_cast %add3A_159 : i32 to index
          %get3A_161 = arith.index_cast %mul3A_131 : i32 to index
          %get3A_162 = tpu.vector_load %arg10[%get3A_160, %get3A_161] {strides = array<i32>} : memref<64x128xf32, #tpu.memory_space<vmem>>, vector<16xf32>,
          %gather3A = tpu.vector_load_idx %arg6[%get3A_157] : memref<65536xf32, #tpu.memory_space<vmem>>[vector<16xi32>], vector<16xf32>,
          %mul3A_163 = arith.mulf %gather3A, %get3A_162 : vector<16xf32>
          %add3A_164 = arith.addf %scan3A_148, %mul3A_163 : vector<16xf32>
          %add3A_165 = arith.constant 1 : i32
          %add3A_166 = arith.addi %mul3A_153, %add3A_165 : i32
          %get3A_167 = arith.index_cast %add3A_166 : i32 to index
          %get3A_168 = arith.index_cast %mul3A_131 : i32 to index
          %get3A_169 = tpu.vector_load %arg8[%get3A_167, %get3A_168] {strides = array<i32>} : memref<64x128xi32, #tpu.memory_space<vmem>>, vector<16xi32>,
          %add3A_170 = arith.constant 1 : i32
          %add3A_171 = arith.addi %mul3A_153, %add3A_170 : i32
          %get3A_172 = arith.index_cast %add3A_171 : i32 to index
          %get3A_173 = arith.index_cast %mul3A_131 : i32 to index
          %get3A_174 = tpu.vector_load %arg10[%get3A_172, %get3A_173] {strides = array<i32>} : memref<64x128xf32, #tpu.memory_space<vmem>>, vector<16xf32>,
          %gather3A_175 = tpu.vector_load_idx %arg6[%get3A_169] : memref<65536xf32, #tpu.memory_space<vmem>>[vector<16xi32>], vector<16xf32>,
          %mul3A_176 = arith.mulf %gather3A_175, %get3A_174 : vector<16xf32>
          %add3A_177 = arith.addf %scan3A_149, %mul3A_176 : vector<16xf32>
          %add3A_178 = arith.constant 2 : i32
          %add3A_179 = arith.addi %mul3A_153, %add3A_178 : i32
          %get3A_180 = arith.index_cast %add3A_179 : i32 to index
          %get3A_181 = arith.index_cast %mul3A_131 : i32 to index
          %get3A_182 = tpu.vector_load %arg8[%get3A_180, %get3A_181] {strides = array<i32>} : memref<64x128xi32, #tpu.memory_space<vmem>>, vector<16xi32>,
          %add3A_183 = arith.constant 2 : i32
          %add3A_184 = arith.addi %mul3A_153, %add3A_183 : i32
          %get3A_185 = arith.index_cast %add3A_184 : i32 to index
          %get3A_186 = arith.index_cast %mul3A_131 : i32 to index
          %get3A_187 = tpu.vector_load %arg10[%get3A_185, %get3A_186] {strides = array<i32>} : memref<64x128xf32, #tpu.memory_space<vmem>>, vector<16xf32>,
          %gather3A_188 = tpu.vector_load_idx %arg6[%get3A_182] : memref<65536xf32, #tpu.memory_space<vmem>>[vector<16xi32>], vector<16xf32>,
          %mul3A_189 = arith.mulf %gather3A_188, %get3A_187 : vector<16xf32>
          %add3A_190 = arith.addf %scan3A_150, %mul3A_189 : vector<16xf32>
          %add3A_191 = arith.constant 3 : i32
          %add3A_192 = arith.addi %mul3A_153, %add3A_191 : i32
          %get3A_193 = arith.index_cast %add3A_192 : i32 to index
          %get3A_194 = arith.index_cast %mul3A_131 : i32 to index
          %get3A_195 = tpu.vector_load %arg8[%get3A_193, %get3A_194] {strides = array<i32>} : memref<64x128xi32, #tpu.memory_space<vmem>>, vector<16xi32>,
          %add3A_196 = arith.constant 3 : i32
          %add3A_197 = arith.addi %mul3A_153, %add3A_196 : i32
          %get3A_198 = arith.index_cast %add3A_197 : i32 to index
          %get3A_199 = arith.index_cast %mul3A_131 : i32 to index
          %get3A_200 = tpu.vector_load %arg10[%get3A_198, %get3A_199] {strides = array<i32>} : memref<64x128xf32, #tpu.memory_space<vmem>>, vector<16xf32>,
          %gather3A_201 = tpu.vector_load_idx %arg6[%get3A_195] : memref<65536xf32, #tpu.memory_space<vmem>>[vector<16xi32>], vector<16xf32>,
          %mul3A_202 = arith.mulf %gather3A_201, %get3A_200 : vector<16xf32>
          %add3A_203 = arith.addf %scan3A_151, %mul3A_202 : vector<16xf32>
          %add3A_204 = arith.constant 4 : i32
          %add3A_205 = arith.addi %mul3A_153, %add3A_204 : i32
          %get3A_206 = arith.index_cast %add3A_205 : i32 to index
          %get3A_207 = arith.index_cast %mul3A_131 : i32 to index
          %get3A_208 = tpu.vector_load %arg8[%get3A_206, %get3A_207] {strides = array<i32>} : memref<64x128xi32, #tpu.memory_space<vmem>>, vector<16xi32>,
          %add3A_209 = arith.constant 4 : i32
          %add3A_210 = arith.addi %mul3A_153, %add3A_209 : i32
          %get3A_211 = arith.index_cast %add3A_210 : i32 to index
          %get3A_212 = arith.index_cast %mul3A_131 : i32 to index
          %get3A_213 = tpu.vector_load %arg10[%get3A_211, %get3A_212] {strides = array<i32>} : memref<64x128xf32, #tpu.memory_space<vmem>>, vector<16xf32>,
          %gather3A_214 = tpu.vector_load_idx %arg6[%get3A_208] : memref<65536xf32, #tpu.memory_space<vmem>>[vector<16xi32>], vector<16xf32>,
          %mul3A_215 = arith.mulf %gather3A_214, %get3A_213 : vector<16xf32>
          %add3A_216 = arith.addf %add3A_164, %mul3A_215 : vector<16xf32>
          %add3A_217 = arith.constant 5 : i32
          %add3A_218 = arith.addi %mul3A_153, %add3A_217 : i32
          %get3A_219 = arith.index_cast %add3A_218 : i32 to index
          %get3A_220 = arith.index_cast %mul3A_131 : i32 to index
          %get3A_221 = tpu.vector_load %arg8[%get3A_219, %get3A_220] {strides = array<i32>} : memref<64x128xi32, #tpu.memory_space<vmem>>, vector<16xi32>,
          %add3A_222 = arith.constant 5 : i32
          %add3A_223 = arith.addi %mul3A_153, %add3A_222 : i32
          %get3A_224 = arith.index_cast %add3A_223 : i32 to index
          %get3A_225 = arith.index_cast %mul3A_131 : i32 to index
          %get3A_226 = tpu.vector_load %arg10[%get3A_224, %get3A_225] {strides = array<i32>} : memref<64x128xf32, #tpu.memory_space<vmem>>, vector<16xf32>,
          %gather3A_227 = tpu.vector_load_idx %arg6[%get3A_221] : memref<65536xf32, #tpu.memory_space<vmem>>[vector<16xi32>], vector<16xf32>,
          %mul3A_228 = arith.mulf %gather3A_227, %get3A_226 : vector<16xf32>
          %add3A_229 = arith.addf %add3A_177, %mul3A_228 : vector<16xf32>
          %add3A_230 = arith.constant 6 : i32
          %add3A_231 = arith.addi %mul3A_153, %add3A_230 : i32
          %get3A_232 = arith.index_cast %add3A_231 : i32 to index
          %get3A_233 = arith.index_cast %mul3A_131 : i32 to index
          %get3A_234 = tpu.vector_load %arg8[%get3A_232, %get3A_233] {strides = array<i32>} : memref<64x128xi32, #tpu.memory_space<vmem>>, vector<16xi32>,
          %add3A_235 = arith.constant 6 : i32
          %add3A_236 = arith.addi %mul3A_153, %add3A_235 : i32
          %get3A_237 = arith.index_cast %add3A_236 : i32 to index
          %get3A_238 = arith.index_cast %mul3A_131 : i32 to index
          %get3A_239 = tpu.vector_load %arg10[%get3A_237, %get3A_238] {strides = array<i32>} : memref<64x128xf32, #tpu.memory_space<vmem>>, vector<16xf32>,
          %gather3A_240 = tpu.vector_load_idx %arg6[%get3A_234] : memref<65536xf32, #tpu.memory_space<vmem>>[vector<16xi32>], vector<16xf32>,
          %mul3A_241 = arith.mulf %gather3A_240, %get3A_239 : vector<16xf32>
          %add3A_242 = arith.addf %add3A_190, %mul3A_241 : vector<16xf32>
          %add3A_243 = arith.constant 7 : i32
          %add3A_244 = arith.addi %mul3A_153, %add3A_243 : i32
          %get3A_245 = arith.index_cast %add3A_244 : i32 to index
          %get3A_246 = arith.index_cast %mul3A_131 : i32 to index
          %get3A_247 = tpu.vector_load %arg8[%get3A_245, %get3A_246] {strides = array<i32>} : memref<64x128xi32, #tpu.memory_space<vmem>>, vector<16xi32>,
          %add3A_248 = arith.constant 7 : i32
          %add3A_249 = arith.addi %mul3A_153, %add3A_248 : i32
          %get3A_250 = arith.index_cast %add3A_249 : i32 to index
          %get3A_251 = arith.index_cast %mul3A_131 : i32 to index
          %get3A_252 = tpu.vector_load %arg10[%get3A_250, %get3A_251] {strides = array<i32>} : memref<64x128xf32, #tpu.memory_space<vmem>>, vector<16xf32>,
          %gather3A_253 = tpu.vector_load_idx %arg6[%get3A_247] : memref<65536xf32, #tpu.memory_space<vmem>>[vector<16xi32>], vector<16xf32>,
          %mul3A_254 = arith.mulf %gather3A_253, %get3A_252 : vector<16xf32>
          %add3A_255 = arith.addf %add3A_203, %mul3A_254 : vector<16xf32>
          %add3A_256 = arith.constant 8 : i32
          %add3A_257 = arith.addi %mul3A_153, %add3A_256 : i32
          %get3A_258 = arith.index_cast %add3A_257 : i32 to index
          %get3A_259 = arith.index_cast %mul3A_131 : i32 to index
          %get3A_260 = tpu.vector_load %arg8[%get3A_258, %get3A_259] {strides = array<i32>} : memref<64x128xi32, #tpu.memory_space<vmem>>, vector<16xi32>,
          %add3A_261 = arith.constant 8 : i32
          %add3A_262 = arith.addi %mul3A_153, %add3A_261 : i32
          %get3A_263 = arith.index_cast %add3A_262 : i32 to index
          %get3A_264 = arith.index_cast %mul3A_131 : i32 to index
          %get3A_265 = tpu.vector_load %arg10[%get3A_263, %get3A_264] {strides = array<i32>} : memref<64x128xf32, #tpu.memory_space<vmem>>, vector<16xf32>,
          %gather3A_266 = tpu.vector_load_idx %arg6[%get3A_260] : memref<65536xf32, #tpu.memory_space<vmem>>[vector<16xi32>], vector<16xf32>,
          %mul3A_267 = arith.mulf %gather3A_266, %get3A_265 : vector<16xf32>
          %add3A_268 = arith.addf %add3A_216, %mul3A_267 : vector<16xf32>
          %add3A_269 = arith.constant 9 : i32
          %add3A_270 = arith.addi %mul3A_153, %add3A_269 : i32
          %get3A_271 = arith.index_cast %add3A_270 : i32 to index
          %get3A_272 = arith.index_cast %mul3A_131 : i32 to index
          %get3A_273 = tpu.vector_load %arg8[%get3A_271, %get3A_272] {strides = array<i32>} : memref<64x128xi32, #tpu.memory_space<vmem>>, vector<16xi32>,
          %add3A_274 = arith.constant 9 : i32
          %add3A_275 = arith.addi %mul3A_153, %add3A_274 : i32
          %get3A_276 = arith.index_cast %add3A_275 : i32 to index
          %get3A_277 = arith.index_cast %mul3A_131 : i32 to index
          %get3A_278 = tpu.vector_load %arg10[%get3A_276, %get3A_277] {strides = array<i32>} : memref<64x128xf32, #tpu.memory_space<vmem>>, vector<16xf32>,
          %gather3A_279 = tpu.vector_load_idx %arg6[%get3A_273] : memref<65536xf32, #tpu.memory_space<vmem>>[vector<16xi32>], vector<16xf32>,
          %mul3A_280 = arith.mulf %gather3A_279, %get3A_278 : vector<16xf32>
          %add3A_281 = arith.addf %add3A_229, %mul3A_280 : vector<16xf32>
          %add3A_282 = arith.constant 10 : i32
          %add3A_283 = arith.addi %mul3A_153, %add3A_282 : i32
          %get3A_284 = arith.index_cast %add3A_283 : i32 to index
          %get3A_285 = arith.index_cast %mul3A_131 : i32 to index
          %get3A_286 = tpu.vector_load %arg8[%get3A_284, %get3A_285] {strides = array<i32>} : memref<64x128xi32, #tpu.memory_space<vmem>>, vector<16xi32>,
          %add3A_287 = arith.constant 10 : i32
          %add3A_288 = arith.addi %mul3A_153, %add3A_287 : i32
          %get3A_289 = arith.index_cast %add3A_288 : i32 to index
          %get3A_290 = arith.index_cast %mul3A_131 : i32 to index
          %get3A_291 = tpu.vector_load %arg10[%get3A_289, %get3A_290] {strides = array<i32>} : memref<64x128xf32, #tpu.memory_space<vmem>>, vector<16xf32>,
          %gather3A_292 = tpu.vector_load_idx %arg6[%get3A_286] : memref<65536xf32, #tpu.memory_space<vmem>>[vector<16xi32>], vector<16xf32>,
          %mul3A_293 = arith.mulf %gather3A_292, %get3A_291 : vector<16xf32>
          %add3A_294 = arith.addf %add3A_242, %mul3A_293 : vector<16xf32>
          %add3A_295 = arith.constant 11 : i32
          %add3A_296 = arith.addi %mul3A_153, %add3A_295 : i32
          %get3A_297 = arith.index_cast %add3A_296 : i32 to index
          %get3A_298 = arith.index_cast %mul3A_131 : i32 to index
          %get3A_299 = tpu.vector_load %arg8[%get3A_297, %get3A_298] {strides = array<i32>} : memref<64x128xi32, #tpu.memory_space<vmem>>, vector<16xi32>,
          %add3A_300 = arith.constant 11 : i32
          %add3A_301 = arith.addi %mul3A_153, %add3A_300 : i32
          %get3A_302 = arith.index_cast %add3A_301 : i32 to index
          %get3A_303 = arith.index_cast %mul3A_131 : i32 to index
          %get3A_304 = tpu.vector_load %arg10[%get3A_302, %get3A_303] {strides = array<i32>} : memref<64x128xf32, #tpu.memory_space<vmem>>, vector<16xf32>,
          %gather3A_305 = tpu.vector_load_idx %arg6[%get3A_299] : memref<65536xf32, #tpu.memory_space<vmem>>[vector<16xi32>], vector<16xf32>,
          %mul3A_306 = arith.mulf %gather3A_305, %get3A_304 : vector<16xf32>
          %add3A_307 = arith.addf %add3A_255, %mul3A_306 : vector<16xf32>
          %add3A_308 = arith.constant 12 : i32
          %add3A_309 = arith.addi %mul3A_153, %add3A_308 : i32
          %get3A_310 = arith.index_cast %add3A_309 : i32 to index
          %get3A_311 = arith.index_cast %mul3A_131 : i32 to index
          %get3A_312 = tpu.vector_load %arg8[%get3A_310, %get3A_311] {strides = array<i32>} : memref<64x128xi32, #tpu.memory_space<vmem>>, vector<16xi32>,
          %add3A_313 = arith.constant 12 : i32
          %add3A_314 = arith.addi %mul3A_153, %add3A_313 : i32
          %get3A_315 = arith.index_cast %add3A_314 : i32 to index
          %get3A_316 = arith.index_cast %mul3A_131 : i32 to index
          %get3A_317 = tpu.vector_load %arg10[%get3A_315, %get3A_316] {strides = array<i32>} : memref<64x128xf32, #tpu.memory_space<vmem>>, vector<16xf32>,
          %gather3A_318 = tpu.vector_load_idx %arg6[%get3A_312] : memref<65536xf32, #tpu.memory_space<vmem>>[vector<16xi32>], vector<16xf32>,
          %mul3A_319 = arith.mulf %gather3A_318, %get3A_317 : vector<16xf32>
          %add3A_320 = arith.addf %add3A_268, %mul3A_319 : vector<16xf32>
          %add3A_321 = arith.constant 13 : i32
          %add3A_322 = arith.addi %mul3A_153, %add3A_321 : i32
          %get3A_323 = arith.index_cast %add3A_322 : i32 to index
          %get3A_324 = arith.index_cast %mul3A_131 : i32 to index
          %get3A_325 = tpu.vector_load %arg8[%get3A_323, %get3A_324] {strides = array<i32>} : memref<64x128xi32, #tpu.memory_space<vmem>>, vector<16xi32>,
          %add3A_326 = arith.constant 13 : i32
          %add3A_327 = arith.addi %mul3A_153, %add3A_326 : i32
          %get3A_328 = arith.index_cast %add3A_327 : i32 to index
          %get3A_329 = arith.index_cast %mul3A_131 : i32 to index
          %get3A_330 = tpu.vector_load %arg10[%get3A_328, %get3A_329] {strides = array<i32>} : memref<64x128xf32, #tpu.memory_space<vmem>>, vector<16xf32>,
          %gather3A_331 = tpu.vector_load_idx %arg6[%get3A_325] : memref<65536xf32, #tpu.memory_space<vmem>>[vector<16xi32>], vector<16xf32>,
          %mul3A_332 = arith.mulf %gather3A_331, %get3A_330 : vector<16xf32>
          %add3A_333 = arith.addf %add3A_281, %mul3A_332 : vector<16xf32>
          %add3A_334 = arith.constant 14 : i32
          %add3A_335 = arith.addi %mul3A_153, %add3A_334 : i32
          %get3A_336 = arith.index_cast %add3A_335 : i32 to index
          %get3A_337 = arith.index_cast %mul3A_131 : i32 to index
          %get3A_338 = tpu.vector_load %arg8[%get3A_336, %get3A_337] {strides = array<i32>} : memref<64x128xi32, #tpu.memory_space<vmem>>, vector<16xi32>,
          %add3A_339 = arith.constant 14 : i32
          %add3A_340 = arith.addi %mul3A_153, %add3A_339 : i32
          %get3A_341 = arith.index_cast %add3A_340 : i32 to index
          %get3A_342 = arith.index_cast %mul3A_131 : i32 to index
          %get3A_343 = tpu.vector_load %arg10[%get3A_341, %get3A_342] {strides = array<i32>} : memref<64x128xf32, #tpu.memory_space<vmem>>, vector<16xf32>,
          %gather3A_344 = tpu.vector_load_idx %arg6[%get3A_338] : memref<65536xf32, #tpu.memory_space<vmem>>[vector<16xi32>], vector<16xf32>,
          %mul3A_345 = arith.mulf %gather3A_344, %get3A_343 : vector<16xf32>
          %add3A_346 = arith.addf %add3A_294, %mul3A_345 : vector<16xf32>
          %add3A_347 = arith.constant 15 : i32
          %add3A_348 = arith.addi %mul3A_153, %add3A_347 : i32
          %get3A_349 = arith.index_cast %add3A_348 : i32 to index
          %get3A_350 = arith.index_cast %mul3A_131 : i32 to index
          %get3A_351 = tpu.vector_load %arg8[%get3A_349, %get3A_350] {strides = array<i32>} : memref<64x128xi32, #tpu.memory_space<vmem>>, vector<16xi32>,
          %add3A_352 = arith.constant 15 : i32
          %add3A_353 = arith.addi %mul3A_153, %add3A_352 : i32
          %get3A_354 = arith.index_cast %add3A_353 : i32 to index
          %get3A_355 = arith.index_cast %mul3A_131 : i32 to index
          %get3A_356 = tpu.vector_load %arg10[%get3A_354, %get3A_355] {strides = array<i32>} : memref<64x128xf32, #tpu.memory_space<vmem>>, vector<16xf32>,
          %gather3A_357 = tpu.vector_load_idx %arg6[%get3A_351] : memref<65536xf32, #tpu.memory_space<vmem>>[vector<16xi32>], vector<16xf32>,
          %mul3A_358 = arith.mulf %gather3A_357, %get3A_356 : vector<16xf32>
          %add3A_359 = arith.addf %add3A_307, %mul3A_358 : vector<16xf32>
          scf.yield %add3A_320, %add3A_333, %add3A_346, %add3A_359 : vector<16xf32>, vector<16xf32>, vector<16xf32>, vector<16xf32>
        }
        %scan3A_138 = arith.constant 4 : i32
        %add3A_139 = arith.addf %scan3A_137#0, %scan3A_137#1 : vector<16xf32>
        %add3A_140 = arith.addf %scan3A_137#2, %scan3A_137#3 : vector<16xf32>
        %add3A_141 = arith.addf %add3A_139, %add3A_140 : vector<16xf32>
        %mul3A_142 = arith.constant 128 : i32
        %mul3A_143 = arith.muli %add3A_119, %mul3A_142 : i32
        %add3A_144 = arith.addi %mul3A_143, %mul3A_131 : i32
        %swap3A = arith.index_cast %add3A_144 : i32 to index
        %swap3A_145 = tpu.vector_load %arg11[%swap3A] {strides = array<i32>} : memref<2048xf32, #tpu.memory_space<vmem>>, vector<16xf32>,
        tpu.vector_store %arg11[%swap3A], %add3A_141 {strides = array<i32>} : memref<2048xf32, #tpu.memory_space<vmem>>, vector<16xf32>,
        %scan3A_146 = arith.constant 0 : i32
        scf.yield %scan3A_146 : i32
      }
      %scan3A_126 = arith.constant 8 : i32
      %scan3A_127 = arith.constant 0 : i32
      scf.yield %scan3A_127 : i32
    }
    %scan3A_53 = arith.constant 8 : i32
    "tpu.region"() ({
      %run_scoped3A = tpu.sem_alloc : memref<!tpu.dma_semaphore, #tpu.memory_space<semaphore_mem>>
      %dma_start3A_54 = tpu.memref_slice %arg5[%select_n3A, %select_n3A_34] : memref<16x4096xf32, #tpu.memory_space<hbm>> -> memref<1x2048xf32, #tpu.memory_space<hbm>>
      %dma_start3A_55 = tpu.memref_squeeze %dma_start3A_54 : memref<1x2048xf32, #tpu.memory_space<hbm>> -> memref<2048xf32, #tpu.memory_space<hbm>>
      %dma_start3A_56 = tpu.memref_slice %arg5[%select_n3A, %select_n3A_34] : memref<16x4096xf32, #tpu.memory_space<hbm>> -> memref<1x2048xf32, #tpu.memory_space<hbm>>
      %dma_start3A_57 = tpu.memref_squeeze %dma_start3A_56 : memref<1x2048xf32, #tpu.memory_space<hbm>> -> memref<2048xf32, #tpu.memory_space<hbm>>
      tpu.enqueue_dma source(%arg11 : memref<2048xf32, #tpu.memory_space<vmem>>) target(%dma_start3A_57 : memref<2048xf32, #tpu.memory_space<hbm>>) target_semaphore(%run_scoped3A : memref<!tpu.dma_semaphore, #tpu.memory_space<semaphore_mem>>)
      %dma_wait3A = tpu.memref_slice %arg5[%select_n3A, %select_n3A_34] : memref<16x4096xf32, #tpu.memory_space<hbm>> -> memref<1x2048xf32, #tpu.memory_space<hbm>>
      %dma_wait3A_58 = tpu.memref_squeeze %dma_wait3A : memref<1x2048xf32, #tpu.memory_space<hbm>> -> memref<2048xf32, #tpu.memory_space<hbm>>
      %dma_wait3A_59 = tpu.memref_slice %arg5[%select_n3A, %select_n3A_34] : memref<16x4096xf32, #tpu.memory_space<hbm>> -> memref<1x2048xf32, #tpu.memory_space<hbm>>
      %dma_wait3A_60 = tpu.memref_squeeze %dma_wait3A_59 : memref<1x2048xf32, #tpu.memory_space<hbm>> -> memref<2048xf32, #tpu.memory_space<hbm>>
      tpu.wait_dma2 semaphore(%run_scoped3A : memref<!tpu.dma_semaphore, #tpu.memory_space<semaphore_mem>>) src(%arg11 : memref<2048xf32, #tpu.memory_space<vmem>>) dst(%dma_wait3A_60 : memref<2048xf32, #tpu.memory_space<hbm>>)
      tpu.yield
    }) : () -> ()
    return
  }
}

module attributes {stable_mosaic.version = 14 : i64} {
  func.func @_tc_loss_body(%arg0: memref<16x4096xf32, #tpu.memory_space<vmem>>, %arg1: memref<16x4095xf32, #tpu.memory_space<vmem>>, %arg2: memref<1x1xf32, #tpu.memory_space<smem>>) attributes {dimension_semantics = [], scalar_prefetch = 0 : i64, scratch_operands = 0 : i64, tpu.core_type = #tpu.core_type<tc>} {
    %get3A = arith.constant 0 : index
    %get3A_0 = arith.constant 0 : index
    %get3A_1 = vector.load %arg0[%get3A, %get3A_0] : memref<16x4096xf32, #tpu.memory_space<vmem>>, vector<16x4096xf32>
    %exp3A = math.exp %get3A_1 : vector<16x4096xf32>
    %log1p3A = math.log1p %exp3A : vector<16x4096xf32>
    %slice3A = vector.extract_strided_slice %log1p3A {offsets = [0, 1], sizes = [16, 4095], strides = [1, 1]} : vector<16x4096xf32> to vector<16x4095xf32>
    %slice3A_2 = vector.extract_strided_slice %log1p3A {offsets = [0, 0], sizes = [16, 4095], strides = [1, 1]} : vector<16x4096xf32> to vector<16x4095xf32>
    %add3A = arith.addf %slice3A, %slice3A_2 : vector<16x4095xf32>
    %mul3A = arith.constant 5.000000e-01 : f32
    %mul3A_3 = vector.broadcast %mul3A : f32 to vector<16x4095xf32>
    %mul3A_4 = arith.mulf %add3A, %mul3A_3 : vector<16x4095xf32>
    %reduce_sum3A = arith.constant dense<0.000000e+00> : vector<16xf32>
    %reduce_sum3A_5 = vector.multi_reduction <add>, %mul3A_4, %reduce_sum3A [1] : vector<16x4095xf32> to vector<16xf32>
    %broadcast_in_dim3A = vector.shape_cast %reduce_sum3A_5 : vector<16xf32> to vector<16x1xf32>
    %broadcast_in_dim3A_6 = arith.constant 0.000000e+00 : f32
    %broadcast_in_dim3A_7 = vector.broadcast %broadcast_in_dim3A_6 : f32 to vector<16x1xf32>
    %concatenate3A = tpu.concatenate %broadcast_in_dim3A_7, %mul3A_4 in 1 : vector<16x1xf32>, vector<16x4095xf32> -> vector<16x4096xf32>
    %broadcast_in_dim3A_8 = arith.constant 0.000000e+00 : f32
    %broadcast_in_dim3A_9 = vector.broadcast %broadcast_in_dim3A_8 : f32 to vector<16x1xf32>
    %slice3A_10 = vector.extract_strided_slice %concatenate3A {offsets = [0, 0], sizes = [16, 4095], strides = [1, 1]} : vector<16x4096xf32> to vector<16x4095xf32>
    %concatenate3A_11 = tpu.concatenate %broadcast_in_dim3A_9, %slice3A_10 in 1 : vector<16x1xf32>, vector<16x4095xf32> -> vector<16x4096xf32>
    %add3A_12 = arith.addf %concatenate3A, %concatenate3A_11 : vector<16x4096xf32>
    %broadcast_in_dim3A_13 = arith.constant 0.000000e+00 : f32
    %broadcast_in_dim3A_14 = vector.broadcast %broadcast_in_dim3A_13 : f32 to vector<16x2xf32>
    %slice3A_15 = vector.extract_strided_slice %add3A_12 {offsets = [0, 0], sizes = [16, 4094], strides = [1, 1]} : vector<16x4096xf32> to vector<16x4094xf32>
    %concatenate3A_16 = tpu.concatenate %broadcast_in_dim3A_14, %slice3A_15 in 1 : vector<16x2xf32>, vector<16x4094xf32> -> vector<16x4096xf32>
    %add3A_17 = arith.addf %add3A_12, %concatenate3A_16 : vector<16x4096xf32>
    %broadcast_in_dim3A_18 = arith.constant 0.000000e+00 : f32
    %broadcast_in_dim3A_19 = vector.broadcast %broadcast_in_dim3A_18 : f32 to vector<16x4xf32>
    %slice3A_20 = vector.extract_strided_slice %add3A_17 {offsets = [0, 0], sizes = [16, 4092], strides = [1, 1]} : vector<16x4096xf32> to vector<16x4092xf32>
    %concatenate3A_21 = tpu.concatenate %broadcast_in_dim3A_19, %slice3A_20 in 1 : vector<16x4xf32>, vector<16x4092xf32> -> vector<16x4096xf32>
    %add3A_22 = arith.addf %add3A_17, %concatenate3A_21 : vector<16x4096xf32>
    %broadcast_in_dim3A_23 = arith.constant 0.000000e+00 : f32
    %broadcast_in_dim3A_24 = vector.broadcast %broadcast_in_dim3A_23 : f32 to vector<16x8xf32>
    %slice3A_25 = vector.extract_strided_slice %add3A_22 {offsets = [0, 0], sizes = [16, 4088], strides = [1, 1]} : vector<16x4096xf32> to vector<16x4088xf32>
    %concatenate3A_26 = tpu.concatenate %broadcast_in_dim3A_24, %slice3A_25 in 1 : vector<16x8xf32>, vector<16x4088xf32> -> vector<16x4096xf32>
    %add3A_27 = arith.addf %add3A_22, %concatenate3A_26 : vector<16x4096xf32>
    %broadcast_in_dim3A_28 = arith.constant 0.000000e+00 : f32
    %broadcast_in_dim3A_29 = vector.broadcast %broadcast_in_dim3A_28 : f32 to vector<16x16xf32>
    %slice3A_30 = vector.extract_strided_slice %add3A_27 {offsets = [0, 0], sizes = [16, 4080], strides = [1, 1]} : vector<16x4096xf32> to vector<16x4080xf32>
    %concatenate3A_31 = tpu.concatenate %broadcast_in_dim3A_29, %slice3A_30 in 1 : vector<16x16xf32>, vector<16x4080xf32> -> vector<16x4096xf32>
    %add3A_32 = arith.addf %add3A_27, %concatenate3A_31 : vector<16x4096xf32>
    %broadcast_in_dim3A_33 = arith.constant 0.000000e+00 : f32
    %broadcast_in_dim3A_34 = vector.broadcast %broadcast_in_dim3A_33 : f32 to vector<16x32xf32>
    %slice3A_35 = vector.extract_strided_slice %add3A_32 {offsets = [0, 0], sizes = [16, 4064], strides = [1, 1]} : vector<16x4096xf32> to vector<16x4064xf32>
    %concatenate3A_36 = tpu.concatenate %broadcast_in_dim3A_34, %slice3A_35 in 1 : vector<16x32xf32>, vector<16x4064xf32> -> vector<16x4096xf32>
    %add3A_37 = arith.addf %add3A_32, %concatenate3A_36 : vector<16x4096xf32>
    %broadcast_in_dim3A_38 = arith.constant 0.000000e+00 : f32
    %broadcast_in_dim3A_39 = vector.broadcast %broadcast_in_dim3A_38 : f32 to vector<16x64xf32>
    %slice3A_40 = vector.extract_strided_slice %add3A_37 {offsets = [0, 0], sizes = [16, 4032], strides = [1, 1]} : vector<16x4096xf32> to vector<16x4032xf32>
    %concatenate3A_41 = tpu.concatenate %broadcast_in_dim3A_39, %slice3A_40 in 1 : vector<16x64xf32>, vector<16x4032xf32> -> vector<16x4096xf32>
    %add3A_42 = arith.addf %add3A_37, %concatenate3A_41 : vector<16x4096xf32>
    %broadcast_in_dim3A_43 = arith.constant 0.000000e+00 : f32
    %broadcast_in_dim3A_44 = vector.broadcast %broadcast_in_dim3A_43 : f32 to vector<16x128xf32>
    %slice3A_45 = vector.extract_strided_slice %add3A_42 {offsets = [0, 0], sizes = [16, 3968], strides = [1, 1]} : vector<16x4096xf32> to vector<16x3968xf32>
    %concatenate3A_46 = tpu.concatenate %broadcast_in_dim3A_44, %slice3A_45 in 1 : vector<16x128xf32>, vector<16x3968xf32> -> vector<16x4096xf32>
    %add3A_47 = arith.addf %add3A_42, %concatenate3A_46 : vector<16x4096xf32>
    %broadcast_in_dim3A_48 = arith.constant 0.000000e+00 : f32
    %broadcast_in_dim3A_49 = vector.broadcast %broadcast_in_dim3A_48 : f32 to vector<16x256xf32>
    %slice3A_50 = vector.extract_strided_slice %add3A_47 {offsets = [0, 0], sizes = [16, 3840], strides = [1, 1]} : vector<16x4096xf32> to vector<16x3840xf32>
    %concatenate3A_51 = tpu.concatenate %broadcast_in_dim3A_49, %slice3A_50 in 1 : vector<16x256xf32>, vector<16x3840xf32> -> vector<16x4096xf32>
    %add3A_52 = arith.addf %add3A_47, %concatenate3A_51 : vector<16x4096xf32>
    %broadcast_in_dim3A_53 = arith.constant 0.000000e+00 : f32
    %broadcast_in_dim3A_54 = vector.broadcast %broadcast_in_dim3A_53 : f32 to vector<16x512xf32>
    %slice3A_55 = vector.extract_strided_slice %add3A_52 {offsets = [0, 0], sizes = [16, 3584], strides = [1, 1]} : vector<16x4096xf32> to vector<16x3584xf32>
    %concatenate3A_56 = tpu.concatenate %broadcast_in_dim3A_54, %slice3A_55 in 1 : vector<16x512xf32>, vector<16x3584xf32> -> vector<16x4096xf32>
    %add3A_57 = arith.addf %add3A_52, %concatenate3A_56 : vector<16x4096xf32>
    %broadcast_in_dim3A_58 = arith.constant 0.000000e+00 : f32
    %broadcast_in_dim3A_59 = vector.broadcast %broadcast_in_dim3A_58 : f32 to vector<16x1024xf32>
    %slice3A_60 = vector.extract_strided_slice %add3A_57 {offsets = [0, 0], sizes = [16, 3072], strides = [1, 1]} : vector<16x4096xf32> to vector<16x3072xf32>
    %concatenate3A_61 = tpu.concatenate %broadcast_in_dim3A_59, %slice3A_60 in 1 : vector<16x1024xf32>, vector<16x3072xf32> -> vector<16x4096xf32>
    %add3A_62 = arith.addf %add3A_57, %concatenate3A_61 : vector<16x4096xf32>
    %broadcast_in_dim3A_63 = arith.constant 0.000000e+00 : f32
    %broadcast_in_dim3A_64 = vector.broadcast %broadcast_in_dim3A_63 : f32 to vector<16x2048xf32>
    %slice3A_65 = vector.extract_strided_slice %add3A_62 {offsets = [0, 0], sizes = [16, 2048], strides = [1, 1]} : vector<16x4096xf32> to vector<16x2048xf32>
    %concatenate3A_66 = tpu.concatenate %broadcast_in_dim3A_64, %slice3A_65 in 1 : vector<16x2048xf32>, vector<16x2048xf32> -> vector<16x4096xf32>
    %add3A_67 = arith.addf %add3A_62, %concatenate3A_66 : vector<16x4096xf32>
    %slice3A_68 = vector.extract_strided_slice %add3A_67 {offsets = [0, 1], sizes = [16, 4095], strides = [1, 1]} : vector<16x4096xf32> to vector<16x4095xf32>
    %div3A = vector.broadcast %broadcast_in_dim3A : vector<16x1xf32> to vector<16x4095xf32>
    %div3A_69 = arith.divf %slice3A_68, %div3A : vector<16x4095xf32>
    %get3A_70 = arith.constant 0 : index
    %get3A_71 = arith.constant 0 : index
    %get3A_72 = vector.load %arg1[%get3A_70, %get3A_71] : memref<16x4095xf32, #tpu.memory_space<vmem>>, vector<16x4095xf32>
    %sub3A = arith.subf %get3A_72, %div3A_69 : vector<16x4095xf32>
    %mul3A_73 = arith.mulf %sub3A, %sub3A : vector<16x4095xf32>
    %reduce_sum3A_74 = vector.shape_cast %mul3A_73 : vector<16x4095xf32> to vector<1x16x4095xf32>
    %reduce_sum3A_75 = arith.constant dense<0.000000e+00> : vector<1xf32>
    %reduce_sum3A_76 = vector.multi_reduction <add>, %reduce_sum3A_74, %reduce_sum3A_75 [1, 2] : vector<1x16x4095xf32> to vector<1xf32>
    %reduce_sum3A_77 = vector.shape_cast %reduce_sum3A_76 : vector<1xf32> to vector<1x1x1xf32>
    %reduce_sum3A_78 = vector.extract %reduce_sum3A_77[0, 0, 0] : f32 from vector<1x1x1xf32>
    %div3A_79 = arith.constant 6.552000e+04 : f32
    %div3A_80 = arith.divf %reduce_sum3A_78, %div3A_79 : f32
    %swap3A = arith.constant 0 : index
    %swap3A_81 = arith.constant 0 : index
    %swap3A_82 = memref.load %arg2[%swap3A, %swap3A_81] : memref<1x1xf32, #tpu.memory_space<smem>>
    memref.store %div3A_80, %arg2[%swap3A, %swap3A_81] : memref<1x1xf32, #tpu.memory_space<smem>>
    return
  }
}

</mosaic_0001>

<sc_bundles>
// kernel: kernel.4.cloned.1.call-start
scs
__scs_entry_jumppad:
0x0: {  	(pc) =	sbr.rel $0x88, $3  }
0x1: {  	(tag) =	ssettag $0x0;
	lr =	simm.s32 $0x1  }
0x2: {  	[smem:$0x3F9D] =	sst lr;
	_ =	strace $0xD0000000  }
0x3: {  	_ = 	snop  }
0x4: {  	_ = 	snop  }
0x5: {  	_ = 	snop  }
0x6: {  	_ = 	snop  }
0x7: {  	_ = 	snop  }
__scs_overlays_trampoline_lowered:
0x8: {  	[smem:$0x3FAC] =	sst s0  }
0x9: {  	[smem:$0x3FAD] =	sst s1  }
0xa: {  	[smem:$0x3FAE] =	sst s2  }
0xb: {  	[smem:$0x3FAF] =	sst s3  }
0xc: {  	[smem:$0x3FB0] =	sst s4  }
0xd: {  	[smem:$0x3FB1] =	sst s5  }
0xe: {  	[smem:$0x3FB2] =	sst s6  }
0xf: {  	[smem:$0x3FB3] =	sst s7  }
0x10: {  	[smem:$0x3FB4] =	sst s8  }
0x11: {  	[smem:$0x3FB5] =	sst s9;
	s0 =	simm.s32 @!p0 $0x0  }
0x12: {  	s1 =	sld [smem:$0x3F9B];
	s0 =	simm.s32 @p0 $0x1  }
0x13: {  	[smem:$0x3FB6] =	sst s0;
	s0 =	simm.s32 @!p1 $0x0  }
0x14: {  	s2 =	sld [smem:$0x3F9A];
	s0 =	simm.s32 @p1 $0x1  }
0x15: {  	[smem:$0x3FB7] =	sst s0;
	s0 =	simm.s32 @!p2 $0x0  }
0x16: {  	s3 =	sld [smem:$0x3FDB];
	s0 =	simm.s32 @p2 $0x1  }
0x17: {  	s4 =	simm.s32 $0x1BF5;
	[smem:$0x3FB9] =	sst s0  }
0x18: {  	s0 =	sld [smem:$0x3F9C];
	_ =	swait.ge [sflag:s4], $0x0  }
0x19: {  	s7 =	sld [smem:$0x3F9D]  }
0x1a: {  	s8 =	sadd.s32 $0xFFFFE003, lr  }
0x1b: {  	s9 =	sadd.s32 $0xFFFFFEF7, lr;
	s5 =	simm.s32 $0xFFFFFFFF;
	p2 =	slt.u32 s8, $0xFFFFF086  }
0x1c: {  	p1 =	slt.u32 s9, $0xF7A;
	s5 =	simm.s32 @!p2 $0x0  }
0x1d: {  	s5 =	simm.s32 @p1 $0x1;
	p0 =	seq.s32 s7, s2  }
0x1e: {  	s7 =	smul.u32 @!p0 $0xF7A, s2;
	p2 =	seq.s32 @!p0 s5, $0x0  }
0x1f: {  	s9 =	smul.u32 $0xF7A, s1;
	s8 =	simm.s32 @!p0 $0x1BF5;
	p2 =	por !p2, p0  }
0x20: {  	[sflag:s8] =	ssyncset.s32 @!p0 $0xFFFFF086;
	s6 =	sadd.s32 @!p0 s3, s7;
	s7 =	simm.s32 @!p0 $0x108  }
0x21: {  	s3 =	sadd.s32 s3, s9;
	s6 =	sadd.s32 @!p0 $0x88, s6;
	s7 =	simm.s32 @p2 $0x1082  }
0x22: {  	[simem:s7], [sflag:s8] =	dma.local @!p0 [hbm:s6], $0xF7A  }
0x23: {  	s9 =	sor.u32 $0xD0000000, s2;
	s6 =	simm.s32 $0x108;
	_ =	swait.ge @!p0 [sflag:s8], $0x0  }
0x24: {  	s3 =	sadd.s32 $0x88, s3;
	s6 =	simm.s32 @!p1 $0x1082;
	[sflag:s4] =	ssyncset.s32 $0xFFFFF086  }
0x25: {  	[simem:s6], [sflag:s4] =	dma.local [hbm:s3], $0xF7A  }
0x26: {  	[smem:$0x3F9D] =	sst s1;
	(tag) =	ssettag s2;
	_ =	strace s9  }
0x27: {  	s1 =	sld [smem:$0x3FAD]  }
0x28: {  	s2 =	sld [smem:$0x3FAE]  }
0x29: {  	s4 =	sld [smem:$0x3FB0]  }
0x2a: {  	p0 =	seq.s32 s5, $0x0;
	s5 =	sld [smem:$0x3FB1]  }
0x2b: {  	s6 =	sld [smem:$0x3FB2]  }
0x2c: {  	s7 =	sld [smem:$0x3FB3]  }
0x2d: {  	s3 =	simm.s32 $0x108;
	s8 =	sld [smem:$0x3FB4]  }
0x2e: {  	s3 =	simm.s32 @!p0 $0x1082;
	s9 =	sld [smem:$0x3FB5]  }
0x2f: {  	lr =	sadd.s32 s0, s3;
	s0 =	sld [smem:$0x3FAC]  }
0x30: {  	s3 =	sld [smem:$0x3FAF]  }
0x31: {  	[smem:$0x3FB8] =	sst s10  }
0x32: {  	s10 =	sld [smem:$0x3FB6];
	_ =	sdelay $0x3  }
0x33: {  	p0 =	seq.s32 s10, $0x1;
	s10 =	sld [smem:$0x3FB8];
	_ =	sdelay $0x3  }
0x34: {  	[smem:$0x3FB8] =	sst s10  }
0x35: {  	s10 =	sld [smem:$0x3FB7];
	_ =	sdelay $0x3  }
0x36: {  	p1 =	seq.s32 s10, $0x1;
	s10 =	sld [smem:$0x3FB8];
	_ =	sdelay $0x3  }
0x37: {  	[smem:$0x3FB8] =	sst s10  }
0x38: {  	s10 =	sld [smem:$0x3FB9]  }
0x39: {  	_ = 	snop;
	(pc) =	sbr.ind lr, $3  }
0x3a: {  	_ = 	snop  }
0x3b: {  	_ = 	snop  }
0x3c: {  	p2 =	seq.s32 s10, $0x1;
	s10 =	sld [smem:$0x3FB8]  }
0x3d: {  	_ =	shalt  }
0x3e: {  	_ =	shalt  }
0x3f: {  	_ =	shalt  }
0x40: {  	_ =	shalt  }
0x41: {  	_ =	shalt  }
0x42: {  	_ =	shalt  }
0x43: {  	_ =	shalt  }
0x44: {  	_ =	shalt  }
0x45: {  	_ =	shalt  }
0x46: {  	_ =	shalt  }
0x47: {  	_ =	shalt  }
0x48: {  	_ =	shalt  }
0x49: {  	_ =	shalt  }
0x4a: {  	_ =	shalt  }
0x4b: {  	_ =	shalt  }
0x4c: {  	_ =	shalt  }
0x4d: {  	_ =	shalt  }
0x4e: {  	_ =	shalt  }
0x4f: {  	_ =	shalt  }
0x50: {  	_ =	shalt  }
0x51: {  	_ =	shalt  }
0x52: {  	_ =	shalt  }
0x53: {  	_ =	shalt  }
0x54: {  	_ =	shalt  }
0x55: {  	_ =	shalt  }
0x56: {  	_ =	shalt  }
0x57: {  	_ =	shalt  }
0x58: {  	_ =	shalt  }
0x59: {  	_ =	shalt  }
0x5a: {  	_ =	shalt  }
0x5b: {  	_ =	shalt  }
0x5c: {  	_ =	shalt  }
0x5d: {  	_ =	shalt  }
0x5e: {  	_ =	shalt  }
0x5f: {  	_ =	shalt  }
0x60: {  	_ =	shalt  }
0x61: {  	_ =	shalt  }
0x62: {  	_ =	shalt  }
0x63: {  	_ =	shalt  }
0x64: {  	_ =	shalt  }
0x65: {  	_ =	shalt  }
0x66: {  	_ =	shalt  }
0x67: {  	_ =	shalt  }
0x68: {  	_ =	shalt  }
0x69: {  	_ =	shalt  }
0x6a: {  	_ =	shalt  }
0x6b: {  	_ =	shalt  }
0x6c: {  	_ =	shalt  }
0x6d: {  	_ =	shalt  }
0x6e: {  	_ =	shalt  }
0x6f: {  	_ =	shalt  }
0x70: {  	_ =	shalt  }
0x71: {  	_ =	shalt  }
0x72: {  	_ =	shalt  }
0x73: {  	_ =	shalt  }
0x74: {  	_ =	shalt  }
0x75: {  	_ =	shalt  }
0x76: {  	_ =	shalt  }
0x77: {  	_ =	shalt  }
0x78: {  	_ =	shalt  }
0x79: {  	_ =	shalt  }
0x7a: {  	_ =	shalt  }
0x7b: {  	_ =	shalt  }
0x7c: {  	_ =	shalt  }
0x7d: {  	_ =	shalt  }
0x7e: {  	_ =	shalt  }
0x7f: {  	_ =	shalt  }
0x80: {  	_ =	shalt  }
0x81: {  	_ =	shalt  }
0x82: {  	_ =	shalt  }
0x83: {  	_ =	shalt  }
0x84: {  	_ =	shalt  }
0x85: {  	_ =	shalt  }
0x86: {  	_ =	shalt  }
0x87: {  	_ =	shalt  }
.Lfunc_end0:
.L_simem_size_0:
called_computation_lowered:
.L_overlay_start_0:
0x88: {  	s2 =	sld [smem:$0x3FD9]  }
0x89: {  	s3 =	sld [smem:$0x3FFE];
	_ =	sdelay $0x1  }
0x8a: {  	s1 =	srdreg.scid  }
0x8b: {  	s0 =	sand.u32 $0x1, s1  }
0x8c: {  	s17 =	sshll.u32 s0, $0xA;
	s2 =	sadd.s32 s3, s2  }
0x8d: {  	s2 =	sadd.s32 s2, s17  }
0x8e: {  	[smem:$0x3FC4] =	sst s2  }
0x8f: {  	_ = 	snop  }
0x90: {  	s2 =	sld [smem:$0x3FC9]  }
0x91: {  	s18 =	sld [smem:$0x3FC8]  }
0x92: {  	s4 =	sld [smem:$0x3FC7];
	(tm) =	ssettm $0x1  }
0x93: {  	s5 =	sld [smem:$0x3FFB];
	_ =	sdelay $0x3  }
0x94: {  	_ =	strace s5  }
0x95: {  	s5 =	sld [smem:$0x3FFC];
	_ =	sdelay $0x3  }
0x96: {  	_ =	strace s5  }
0x97: {  	s5 =	sld [smem:$0x3FFD];
	_ =	sdelay $0x3  }
0x98: {  	_ =	strace s5  }
0x99: {  	_ =	strace $0x8FFFFFFF  }
0x9a: {  	s19 =	sld [smem:$0x3FDB];
	_ =	sdelay $0x1  }
0x9b: {  	s6 =	simm.s32 $_scs_section_size  }
0x9c: {  	s7 =	simm.s32 $_size__tile_overlayer_lowered;
	s8 =	simm.s32 $_tile_overlayer_lowered  }
0x9d: {  	s22 =	simm.s32 $0x1BFF;
	s21 =	sshll.u32 s8, $0x1;
	s5 =	sadd.s32 s6, s19  }
0x9e: {  	s9 =	simm.s32 $0x0;
	s20 =	sshll.u32 s7, $0x1;
	s7 =	sadd.s32 s21, s5  }
0x9f: {  	[timem:s9], [sflag:s22] =	dma.local [hbm:s7], s20  }
0xa0: {  	_ =	swait.ge [sflag:s22], s20  }
0xa1: {  	s6 =	ssub.s32 $0x0, s20;
	[sflag:s22] =	ssyncset.done $0x0  }
0xa2: {  	[sflag:s22] =	ssyncadd.s32 s6;
	_ =	sdelay $0x1  }
0xa3: {  	s23 =	simm.s32 $0x1B8B  }
0xa4: {  	_ =	swait.ge [sflag:s23], $0x1  }
0xa5: {  	[sflag:s23] =	ssyncset.done $0x0  }
0xa6: {  	s25 =	simm.s32 $0x1B8E;
	s24 =	sld [smem:$0x3FFE];
	[sflag:s23] =	ssyncadd.s32 $0xFFFFFFFF  }
0xa7: {  	s26 =	simm.s32 $execute0_lowered;
	[smem:$0x3FD2] =	sst s25  }
0xa8: {  	s7 =	sshll.u32 s26, $0x1;
	_ =	strace $0x80000046;
	[dreg:$0x1] =	wrdreg $0xFFFFFFFF  }
0xa9: {  	s28 =	simm.s32 $_size_execute0_lowered;
	s5 =	sadd.s32 s5, s7;
	[dreg:$0x0] =	wrdreg $0x0  }
0xaa: {  	s7 =	sshll.u32 s28, $0x1;
	[dreg:$0x2] =	wrdreg s5  }
0xab: {  	[dreg:$0x3] =	wrdreg s7  }
0xac: {  	[dreg:$0x4] =	wrdreg $0xC0  }
0xad: {  	_ =	task [dreg:s9], $0x5FFFF  }
0xae: {  	[dreg:$0x1] =	wrdreg $0xFFFFFFFF  }
0xaf: {  	[dreg:$0x0] =	wrdreg $0x60  }
0xb0: {  	[dreg:$0x2] =	wrdreg s2  }
0xb1: {  	[dreg:$0x3] =	wrdreg s4  }
0xb2: {  	[dreg:$0x4] =	wrdreg s18  }
0xb3: {  	[dreg:$0x5] =	wrdreg s24  }
0xb4: {  	[dreg:$0x6] =	wrdreg $0x9  }
0xb5: {  	_ =	task.clear_ibuf [dreg:s9], $0x7FFFF;
	_ =	strace $0x90000046  }
0xb6: {  	s29 =	simm.s32 $0x9;
	_ =	strace $0x80000048  }
0xb7: {  	_ =	swait.ge [sflag:s29], $0x1  }
0xb8: {  	[sflag:s29] =	ssyncadd.s32 $0xFFFFFFFF  }
0xb9: {  	_ =	strace $0x90000048  }
0xba: {  	_ =	sfence  }
0xbb: {  	s30 =	sld [smem:$0x0];
	_ =	sdelay $0x2  }
0xbc: {  	s31 =	sshll.u32 s1, $0xD;
	s1 =	sshrl.u32 s1, $0x2  }
0xbd: {  	s3 =	sand.u32 $0x4000, s31;
	s1 =	sadd.s32 s1, s30  }
0xbe: {  	s0 =	sor.u32 s3, s0;
	s1 =	sshll.u32 s1, $0x11  }
0xbf: {  	s0 =	sor.u32 s1, s0  }
0xc0: {  	s0 =	sadd.s32 $0x8F2B, s0  }
0xc1: {  	[sflag:s0] =	ssyncadd.remote.s32 $0x1  }
0xc2: {  	_ =	sfence.sel $0xFFFF  }
0xc3: {  	[dreg:$0x0] =	wrdreg $0xFFFFFFFF;
	(pc) =	sbr.abs _section_cstart, $3  }
0xc4: {  	[dreg:$0x1] =	wrdreg $0xFFFFFFFF  }
0xc5: {  	_ =	task.clear_ibuf [dreg:s9], $0x2FFFF;
	_ =	strace $0x9FFFFFFF  }
0xc6: {  	(tm) =	ssettm $0x7FFFFFFF  }
0xc7: {  	_ =	shalt  }
tec
execute0_lowered:
.L_overlay_start_1:
0x0: {  	(tag) =	ssettag $0x1  }
0x1: {  	s1 =	srdreg.scid;
	s2 =	rddreg [dreg:$0x1]  }
0x2: {  	s0 =	stileid.u32;
	s4 =	rddreg [dreg:$0x2]  }
0x3: {  	s5 =	simm.s32 $0x1;
	s7 =	rddreg [dreg:$0x3];
	s14 =	simm.s32 $0x8000  }
0x4: {  	s15 =	simm.s32 $0x10000;
	s16 =	simm.s32 $0x14000;
	s3 =	sand.u32 $0x1, s1  }
0x5: {  	s17 =	simm.s32 $0x3;
	s18 =	simm.s32 $0x12000;
	s1 =	sor.u32 s3, s0  }
0x6: {  	s19 =	simm.s32 $0x16000;
	p1 =	seq.s32 s3, $0x1;
	p0 =	seq.s32 s1, $0x0  }
0x7: {  	s20 =	simm.s32 $0x2;
	s21 =	simm.s32 $0x80;
	p0 =	por !p0, !p1  }
0x8: {  	s22 =	simm.s32 $0x18000;
	s23 =	simm.s32 $0x0;
	p0 =	por !p0, !p0  }
0x9: {  	s10 =	sshll.u32 s3, $0xE;
	s29 =	ssub.s32 $0x2, s3;
	s5 =	simm.s32 @!p0 $0x0  }
0xa: {  	s3 =	sshll.u32 s3, $0xB;
	s1 =	rddreg [dreg:$0x0];
	s8 =	ssub.s32 s0, s5  }
0xb: {  	s30 =	sshrl.u32 s29, $0x1;
	s6 =	sshll.u32 s8, $0xC;
	s9 =	sshll.u32 s8, $0x7  }
0xc: {  	s5 =	simm.s32 $0x0;
	s6 =	sand.u32 $0xFFFF8000, s6;
	s9 =	sand.u32 $0x380, s9  }
0xd: {  	s31 =	ssub.s32 s29, s30;
	[smem:$0x7FF] =	sst s5;
	s6 =	sor.u32 s6, s9  }
0xe: {  	s11 =	sshll.u32 s8, $0x12;
	_ =	strace $0x80000047;
	s9 =	sor.u32 s10, s6  }
0xf: {  	s12 =	sshrl.u32 s11, $0x3;
	s6 =	simm.s32 $0x1;
	s9 =	sshrl.u32 s9, $0x3  }
0x10: {  	s10 =	sor.u32 s11, s10;
	s13 =	sadd.s32 s9, s7;
	s7 =	sor.u32 s3, s12  }
0x11: {  	s10 =	sor.u32 $0x800, s10;
	s12 =	smax.u32 s31, $0x1;
	s8 =	sadd.s32 s2, s7  }
0x12: {  	s9 =	sadd.s32 s4, s7;
	s11 =	sadd.s32 $0x800, s13;
	s13 =	simm.s32 $0x400  }
.LBB2_1:
0x13: {  	[tilespmem:s15], [sflag:$0x1] =	stream.strided.gather [hbm4b:s8+s13], $0x2000, s14, s13, $0x38;
	[tilespmem:$0x18800] =	vst v63  }
0x14: {  	_ = 	snop  }
0x15: {  	[tilespmem:s16], [sflag:$0x2] =	stream.strided.gather [hbm4b:s9+s13], $0x2000, s14, s13, $0x38;
	[tilespmem:$0x18800] =	vst v63  }
0x16: {  	_ = 	snop  }
0x17: {  	[tilespmem:s5], [sflag:$0x3] =	stream.linear.gather [hbm4b:s1+s5], $0x10000, $0x38;
	[tilespmem:$0x18800] =	vst v63  }
0x18: {  	_ =	swait.ge [sflag:s17], $0x10000  }
0x19: {  	[sflag:s17] =	ssyncset.done $0x0  }
0x1a: {  	s24 =	simm.s32 $0x0;
	[sflag:s17] =	ssyncadd.s32 $0xFFFF0000  }
.LBB2_2:
0x1b: {  	s3 =	sshll.u32 s24, $0x8  }
0x1c: {  	s25 =	sor.u32 $0x80, s3  }
0x1d: {  	s26 =	sor.u32 s25, s7  }
0x1e: {  	s28 =	sadd.s32 s2, s26  }
0x1f: {  	[tilespmem:s18], [sflag:$0x1] =	stream.strided.gather [hbm4b:s28+s13], $0x2000, s14, s13, $0x38;
	[tilespmem:$0x18800] =	vst v63  }
0x20: {  	s26 =	sadd.s32 s4, s26  }
0x21: {  	[tilespmem:s19], [sflag:$0x2] =	stream.strided.gather [hbm4b:s26+s13], $0x2000, s14, s13, $0x38;
	[tilespmem:$0x18800] =	vst v63  }
0x22: {  	_ =	swait.ge [sflag:s6], $0x2000  }
0x23: {  	[sflag:s6] =	ssyncset.done $0x0  }
0x24: {  	[sflag:s6] =	ssyncadd.s32 $0xFFFFE000  }
0x25: {  	s3 =	sand.u32 $0x3FFFFF00, s3;
	_ =	swait.ge [sflag:s20], $0x2000  }
0x26: {  	s29 =	simm.s32 $0x10000;
	s3 =	sadd.s32 $0x18000, s3;
	[sflag:s20] =	ssyncset.done $0x0  }
0x27: {  	v0 =	vmov s3;
	s28 =	simm.s32 $0x14400;
	s26 =	simm.s32 $0x0;
	[sflag:s20] =	ssyncadd.s32 $0xFFFFE000  }
.LBB2_3:
0x28: {  	v5 =	vmov s28;
	_ =	sdelay $0x3  }
0x29: {  	s3 =	simm.s32 $0x0  }
0x2a: {  	v6 =	vld.idx.msk [tilespmem:v5+s3+$0x200 ss:$0x1], $0xffff  }
0x2b: {  	v8 =	vld.idx.msk [tilespmem:v5+s3+$0x280 ss:$0x1], $0xffff  }
0x2c: {  	v2 =	vld.idx.msk [tilespmem:v5+s3+$0x300 ss:$0x1], $0xffff  }
0x2d: {  	v1 =	vld.idx.msk [tilespmem:v5+s3+$0x380 ss:$0x1], $0xffff  }
0x2e: {  	v11 =	vld.idx.msk [tilespmem:v5+s3+$0x0 ss:$0x1], $0xffff  }
0x2f: {  	v12 =	vld.idx.msk [tilespmem:v5+s3+$0x80 ss:$0x1], $0xffff  }
0x30: {  	v4 =	vld.idx.msk [tilespmem:v5+s3+$0x100 ss:$0x1], $0xffff  }
0x31: {  	v3 =	vld.idx.msk [tilespmem:v5+s3+$0x180 ss:$0x1], $0xffff  }
0x32: {  	v17 =	vld.idx.msk [tilespmem:v5+s3+$0xFFFFFE00 ss:$0x1], $0xffff  }
0x33: {  	v18 =	vld.idx.msk [tilespmem:v5+s3+$0xFFFFFE80 ss:$0x1], $0xffff  }
0x34: {  	v10 =	vld.idx.msk [tilespmem:v5+s3+$0xFFFFFF00 ss:$0x1], $0xffff  }
0x35: {  	v7 =	vmov s29;
	v9 =	vld.idx.msk [tilespmem:v5+s3+$0xFFFFFF80 ss:$0x1], $0xffff  }
0x36: {  	v21 =	vld.idx.msk [tilespmem:v5+s3+$0xFFFFFC00 ss:$0x1], $0xffff  }
0x37: {  	v22 =	vld.idx.msk [tilespmem:v5+s3+$0xFFFFFC80 ss:$0x1], $0xffff  }
0x38: {  	v19 =	vld.idx.msk [tilespmem:v5+s3+$0xFFFFFD00 ss:$0x1], $0xffff  }
0x39: {  	v20 =	vld.idx.msk [tilespmem:v5+s3+$0xFFFFFD80 ss:$0x1], $0xffff  }
0x3a: {  	v14 =	vld.idx.msk [tilespmem:v7+s3+$0x600 ss:$0x1], $0xffff  }
0x3b: {  	v28 =	vld.idx.msk [tilespmem:v7+s3+$0x680 ss:$0x1], $0xffff  }
0x3c: {  	v24 =	vld.idx.msk [tilespmem:v7+s3+$0x700 ss:$0x1], $0xffff  }
0x3d: {  	v23 =	vld.idx.msk [tilespmem:v7+s3+$0x780 ss:$0x1], $0xffff  }
0x3e: {  	v30 =	vld.idx.msk [tilespmem:v7+s3+$0x400 ss:$0x1], $0xffff  }
0x3f: {  	v31 =	vld.idx.msk [tilespmem:v7+s3+$0x480 ss:$0x1], $0xffff  }
0x40: {  	v26 =	vld.idx.msk [tilespmem:v7+s3+$0x500 ss:$0x1], $0xffff  }
0x41: {  	v25 =	vld.idx.msk [tilespmem:v7+s3+$0x580 ss:$0x1], $0xffff  }
0x42: {  	v32 =	vld.idx.msk [tilespmem:v7+s3+$0x200 ss:$0x1], $0xffff  }
0x43: {  	v33 =	vld.idx.msk [tilespmem:v7+s3+$0x280 ss:$0x1], $0xffff  }
0x44: {  	v29 =	vld.idx.msk [tilespmem:v7+s3+$0x300 ss:$0x1], $0xffff  }
0x45: {  	v27 =	vld.idx.msk [tilespmem:v7+s3+$0x380 ss:$0x1], $0xffff  }
0x46: {  	v35 =	vld.idx.msk [tilespmem:v7+s3+$0x0 ss:$0x1], $0xffff  }
0x47: {  	v36 =	vld.idx.msk [tilespmem:v7+s3+$0x80 ss:$0x1], $0xffff  }
0x48: {  	v37 =	vld.idx.msk [tilespmem:v7+s3+$0x100 ss:$0x1], $0xffff  }
0x49: {  	v13 =	vimm.f32 $0.0e+00;
	v38 =	vld.idx.msk [tilespmem:v7+s3+$0x180 ss:$0x1], $0xffff  }
0x4a: {  	s30 =	sshll.u32 s26, $0x4;
	s31 =	simm.s32 $0x2000;
	v16 =	vimm.f32 $0.0e+00;
	v15 =	vimm.f32 $0.0e+00;
	v34 =	vld.idx.msk [tilespmem:v14+s5+$0x0], $0xffff;
	v14 =	vimm.f32 $0.0e+00  }
.LBB2_4:
0x4b: {  	p0 =	sne.s32 s31, $0x6000;
	v28 =	vld.idx.msk [tilespmem:v28+s5+$0x0], $0xffff  }
0x4c: {  	v30 =	vld.idx.msk [tilespmem:v30+s5+$0x0], $0xffff  }
0x4d: {  	v31 =	vld.idx.msk [tilespmem:v31+s5+$0x0], $0xffff  }
0x4e: {  	v32 =	vld.idx.msk [tilespmem:v32+s5+$0x0], $0xffff  }
0x4f: {  	v33 =	vld.idx.msk [tilespmem:v33+s5+$0x0], $0xffff  }
0x50: {  	v35 =	vld.idx.msk [tilespmem:v35+s5+$0x0], $0xffff  }
0x51: {  	v36 =	vld.idx.msk [tilespmem:v36+s5+$0x0], $0xffff  }
0x52: {  	v37 =	vld.idx.msk [tilespmem:v37+s5+$0x0], $0xffff  }
0x53: {  	v38 =	vld.idx.msk [tilespmem:v38+s5+$0x0], $0xffff  }
0x54: {  	v29 =	vld.idx.msk [tilespmem:v29+s5+$0x0], $0xffff  }
0x55: {  	v34 =	vmul.f32 v34, v6;
	v28 =	vmul.f32 v28, v8;
	v27 =	vld.idx.msk [tilespmem:v27+s5+$0x0], $0xffff  }
0x56: {  	v30 =	vmul.f32 v30, v11;
	v12 =	vmul.f32 v31, v12;
	v11 =	vld.idx.msk [tilespmem:v26+s5+$0x0], $0xffff  }
0x57: {  	v17 =	vmul.f32 v32, v17;
	v18 =	vmul.f32 v33, v18;
	v25 =	vld.idx.msk [tilespmem:v25+s5+$0x0], $0xffff  }
0x58: {  	v8 =	vmul.f32 v35, v21;
	v21 =	vmul.f32 v36, v22;
	v22 =	vld.idx.msk [tilespmem:v24+s5+$0x0], $0xffff  }
0x59: {  	s3 =	sshra.s32 s31, $0x2;
	v19 =	vmul.f32 v37, v19;
	v20 =	vmul.f32 v38, v20;
	v23 =	vld.idx.msk [tilespmem:v23+s5+$0x0], $0xffff  }
0x5a: {  	v13 =	vadd.f32 v8, v13;
	v16 =	vadd.f32 v21, v16;
	v10 =	vmul.f32 v29, v10;
	v6 =	vld.idx.msk [tilespmem:v5+s3+$0x200 ss:$0x1], $0xffff  }
0x5b: {  	v14 =	vadd.f32 v19, v14;
	v15 =	vadd.f32 v20, v15;
	v9 =	vmul.f32 v27, v9;
	v8 =	vld.idx.msk [tilespmem:v5+s3+$0x280 ss:$0x1], $0xffff  }
0x5c: {  	v13 =	vadd.f32 v17, v13;
	v16 =	vadd.f32 v18, v16;
	v4 =	vmul.f32 v11, v4;
	v19 =	vld.idx.msk [tilespmem:v5+s3+$0x300 ss:$0x1], $0xffff  }
0x5d: {  	v10 =	vadd.f32 v10, v14;
	v9 =	vadd.f32 v9, v15;
	v3 =	vmul.f32 v25, v3;
	v20 =	vld.idx.msk [tilespmem:v5+s3+$0x380 ss:$0x1], $0xffff  }
0x5e: {  	v13 =	vadd.f32 v30, v13;
	v14 =	vadd.f32 v12, v16;
	v2 =	vmul.f32 v22, v2;
	v11 =	vld.idx.msk [tilespmem:v5+s3+$0x0 ss:$0x1], $0xffff  }
0x5f: {  	v10 =	vadd.f32 v4, v10;
	v9 =	vadd.f32 v3, v9;
	v1 =	vmul.f32 v23, v1;
	v12 =	vld.idx.msk [tilespmem:v5+s3+$0x80 ss:$0x1], $0xffff  }
0x60: {  	v13 =	vadd.f32 v34, v13;
	v16 =	vadd.f32 v28, v14;
	v4 =	vld.idx.msk [tilespmem:v5+s3+$0x100 ss:$0x1], $0xffff  }
0x61: {  	v14 =	vadd.f32 v2, v10;
	v15 =	vadd.f32 v1, v9;
	v3 =	vld.idx.msk [tilespmem:v5+s3+$0x180 ss:$0x1], $0xffff  }
0x62: {  	v2 =	vmov v19;
	v17 =	vld.idx.msk [tilespmem:v5+s3+$0xFFFFFE00 ss:$0x1], $0xffff  }
0x63: {  	v1 =	vmov v20;
	v18 =	vld.idx.msk [tilespmem:v5+s3+$0xFFFFFE80 ss:$0x1], $0xffff  }
0x64: {  	v10 =	vld.idx.msk [tilespmem:v5+s3+$0xFFFFFF00 ss:$0x1], $0xffff  }
0x65: {  	v9 =	vld.idx.msk [tilespmem:v5+s3+$0xFFFFFF80 ss:$0x1], $0xffff  }
0x66: {  	v21 =	vld.idx.msk [tilespmem:v5+s3+$0xFFFFFC00 ss:$0x1], $0xffff  }
0x67: {  	v22 =	vld.idx.msk [tilespmem:v5+s3+$0xFFFFFC80 ss:$0x1], $0xffff  }
0x68: {  	v19 =	vld.idx.msk [tilespmem:v5+s3+$0xFFFFFD00 ss:$0x1], $0xffff  }
0x69: {  	v20 =	vld.idx.msk [tilespmem:v5+s3+$0xFFFFFD80 ss:$0x1], $0xffff  }
0x6a: {  	v34 =	vld.idx.msk [tilespmem:v7+s3+$0x600 ss:$0x1], $0xffff  }
0x6b: {  	v28 =	vld.idx.msk [tilespmem:v7+s3+$0x680 ss:$0x1], $0xffff  }
0x6c: {  	v24 =	vld.idx.msk [tilespmem:v7+s3+$0x700 ss:$0x1], $0xffff  }
0x6d: {  	v23 =	vld.idx.msk [tilespmem:v7+s3+$0x780 ss:$0x1], $0xffff  }
0x6e: {  	v30 =	vld.idx.msk [tilespmem:v7+s3+$0x400 ss:$0x1], $0xffff  }
0x6f: {  	v31 =	vld.idx.msk [tilespmem:v7+s3+$0x480 ss:$0x1], $0xffff  }
0x70: {  	v26 =	vld.idx.msk [tilespmem:v7+s3+$0x500 ss:$0x1], $0xffff  }
0x71: {  	v25 =	vld.idx.msk [tilespmem:v7+s3+$0x580 ss:$0x1], $0xffff  }
0x72: {  	v32 =	vld.idx.msk [tilespmem:v7+s3+$0x200 ss:$0x1], $0xffff  }
0x73: {  	v33 =	vld.idx.msk [tilespmem:v7+s3+$0x280 ss:$0x1], $0xffff  }
0x74: {  	v29 =	vld.idx.msk [tilespmem:v7+s3+$0x300 ss:$0x1], $0xffff  }
0x75: {  	v27 =	vld.idx.msk [tilespmem:v7+s3+$0x380 ss:$0x1], $0xffff  }
.Ltmp0:
0x76: {  	v35 =	vld.idx.msk [tilespmem:v7+s3+$0x0 ss:$0x1], $0xffff;
	(pc) =	sbr.rel @p0 .LBB2_4-.Ltmp0, $4  }
0x77: {  	v36 =	vld.idx.msk [tilespmem:v7+s3+$0x80 ss:$0x1], $0xffff  }
0x78: {  	v37 =	vld.idx.msk [tilespmem:v7+s3+$0x100 ss:$0x1], $0xffff  }
0x79: {  	v38 =	vld.idx.msk [tilespmem:v7+s3+$0x180 ss:$0x1], $0xffff  }
0x7a: {  	s31 =	sadd.s32 $0x2000, s31;
	v34 =	vld.idx.msk [tilespmem:v34+s5+$0x0], $0xffff  }
0x7b: {  	_ =	sdelay $0x3  }
0x7c: {  	v5 =	vld.idx.msk [tilespmem:v28+s5+$0x0], $0xffff  }
0x7d: {  	v7 =	vld.idx.msk [tilespmem:v30+s5+$0x0], $0xffff  }
0x7e: {  	v51 =	vld.idx.msk [tilespmem:v31+s5+$0x0], $0xffff  }
0x7f: {  	v52 =	vld.idx.msk [tilespmem:v32+s5+$0x0], $0xffff  }
0x80: {  	v53 =	vld.idx.msk [tilespmem:v33+s5+$0x0], $0xffff  }
0x81: {  	v54 =	vld.idx.msk [tilespmem:v35+s5+$0x0], $0xffff  }
0x82: {  	v55 =	vld.idx.msk [tilespmem:v36+s5+$0x0], $0xffff  }
0x83: {  	v56 =	vld.idx.msk [tilespmem:v37+s5+$0x0], $0xffff  }
0x84: {  	v57 =	vld.idx.msk [tilespmem:v38+s5+$0x0], $0xffff  }
0x85: {  	v29 =	vld.idx.msk [tilespmem:v29+s5+$0x0], $0xffff;
	v6 =	vmul.f32 v34, v6;
	v5 =	vmul.f32 v5, v8  }
0x86: {  	v58 =	vld.idx.msk [tilespmem:v27+s5+$0x0], $0xffff;
	v7 =	vmul.f32 v7, v11;
	v59 =	vmul.f32 v51, v12  }
0x87: {  	v60 =	vld.idx.msk [tilespmem:v26+s5+$0x0], $0xffff;
	v17 =	vmul.f32 v52, v17;
	v18 =	vmul.f32 v53, v18  }
0x88: {  	v25 =	vld.idx.msk [tilespmem:v25+s5+$0x0], $0xffff;
	v21 =	vmul.f32 v54, v21;
	v22 =	vmul.f32 v55, v22  }
0x89: {  	v24 =	vld.idx.msk [tilespmem:v24+s5+$0x0], $0xffff;
	v19 =	vmul.f32 v56, v19;
	v20 =	vmul.f32 v57, v20  }
0x8a: {  	v23 =	vld.idx.msk [tilespmem:v23+s5+$0x0], $0xffff;
	v10 =	vmul.f32 v29, v10;
	v13 =	vadd.f32 v21, v13;
	v16 =	vadd.f32 v22, v16  }
0x8b: {  	v8 =	vmul.f32 v58, v9;
	v14 =	vadd.f32 v19, v14;
	v15 =	vadd.f32 v20, v15  }
0x8c: {  	v4 =	vmul.f32 v60, v4;
	v61 =	vadd.f32 v17, v13;
	v62 =	vadd.f32 v18, v16  }
0x8d: {  	v3 =	vmul.f32 v25, v3;
	v10 =	vadd.f32 v10, v14;
	v8 =	vadd.f32 v8, v15  }
0x8e: {  	v2 =	vmul.f32 v24, v2;
	v7 =	vadd.f32 v7, v61;
	v63 =	vadd.f32 v59, v62  }
0x8f: {  	v1 =	vmul.f32 v23, v1;
	v4 =	vadd.f32 v4, v10;
	v3 =	vadd.f32 v3, v8  }
0x90: {  	v6 =	vadd.f32 v6, v7;
	v5 =	vadd.f32 v5, v63  }
0x91: {  	s26 =	sadd.s32 $0x1, s26;
	v2 =	vadd.f32 v2, v4;
	v1 =	vadd.f32 v1, v3  }
0x92: {  	p0 =	sne.s32 s26, $0x8  }
.Ltmp1:
0x93: {  	v3 =	vadd.f32 v5, v6;
	v1 =	vadd.f32 v1, v2;
	(pc) =	sbr.rel @p0 .LBB2_3-.Ltmp1, $3  }
0x94: {  	_ = 	snop  }
0x95: {  	v1 =	vadd.f32 v1, v3;
	_ =	sdelay $0x1  }
0x96: {  	s28 =	sadd.s32 $0x10, s28;
	s29 =	sadd.s32 $0x10, s29;
	[tilespmem:v0+s30+$0x0 ss:$0x1] =	vst.idx.msk $0xffff, v1  }
0x97: {  	p0 =	seq.s32 s24, $0x7  }
0x98: {  	s3 =	sshll.u32 @!p0 s24, $0xB  }
0x99: {  	s3 =	sadd.s32 @!p0 s3, s10  }
0x9a: {  	s28 =	simm.s32 @!p0 $0x400;
	s3 =	sshrl.u32 @!p0 s3, $0x3  }
0x9b: {  	s29 =	simm.s32 @!p0 $0x8000;
	s30 =	simm.s32 @!p0 $0x10000;
	s26 =	sadd.s32 @!p0 s2, s3  }
0x9c: {  	[tilespmem:s30], [sflag:$0x1] =	stream.strided.gather @!p0 [hbm4b:s26+s28], $0x2000, s29, s28, $0x38;
	[tilespmem:$0x18800] =	vst v63  }
0x9d: {  	s3 =	sadd.s32 @!p0 s4, s3;
	s26 =	simm.s32 @!p0 $0x14000  }
0x9e: {  	[tilespmem:s26], [sflag:$0x2] =	stream.strided.gather @!p0 [hbm4b:s3+s28], $0x2000, s29, s28, $0x38;
	[tilespmem:$0x18800] =	vst v63  }
0x9f: {  	_ =	swait.ge [sflag:s6], $0x2000  }
0xa0: {  	[sflag:s6] =	ssyncset.done $0x0  }
0xa1: {  	[sflag:s6] =	ssyncadd.s32 $0xFFFFE000  }
0xa2: {  	_ =	swait.ge [sflag:s20], $0x2000  }
0xa3: {  	s31 =	sadd.s32 $0x18000, s25;
	s25 =	simm.s32 $0x0;
	[sflag:s20] =	ssyncset.done $0x0  }
0xa4: {  	v0 =	vmov s31;
	s26 =	simm.s32 $0x16400;
	s28 =	simm.s32 $0x12000;
	[sflag:s20] =	ssyncadd.s32 $0xFFFFE000  }
.LBB2_7:
0xa5: {  	v5 =	vmov s26;
	_ =	sdelay $0x3  }
0xa6: {  	s3 =	simm.s32 $0x0  }
0xa7: {  	v6 =	vld.idx.msk [tilespmem:v5+s3+$0x200 ss:$0x1], $0xffff  }
0xa8: {  	v8 =	vld.idx.msk [tilespmem:v5+s3+$0x280 ss:$0x1], $0xffff  }
0xa9: {  	v2 =	vld.idx.msk [tilespmem:v5+s3+$0x300 ss:$0x1], $0xffff  }
0xaa: {  	v1 =	vld.idx.msk [tilespmem:v5+s3+$0x380 ss:$0x1], $0xffff  }
0xab: {  	v11 =	vld.idx.msk [tilespmem:v5+s3+$0x0 ss:$0x1], $0xffff  }
0xac: {  	v12 =	vld.idx.msk [tilespmem:v5+s3+$0x80 ss:$0x1], $0xffff  }
0xad: {  	v4 =	vld.idx.msk [tilespmem:v5+s3+$0x100 ss:$0x1], $0xffff  }
0xae: {  	v3 =	vld.idx.msk [tilespmem:v5+s3+$0x180 ss:$0x1], $0xffff  }
0xaf: {  	v17 =	vld.idx.msk [tilespmem:v5+s3+$0xFFFFFE00 ss:$0x1], $0xffff  }
0xb0: {  	v18 =	vld.idx.msk [tilespmem:v5+s3+$0xFFFFFE80 ss:$0x1], $0xffff  }
0xb1: {  	v10 =	vld.idx.msk [tilespmem:v5+s3+$0xFFFFFF00 ss:$0x1], $0xffff  }
0xb2: {  	v7 =	vmov s28;
	v9 =	vld.idx.msk [tilespmem:v5+s3+$0xFFFFFF80 ss:$0x1], $0xffff  }
0xb3: {  	v21 =	vld.idx.msk [tilespmem:v5+s3+$0xFFFFFC00 ss:$0x1], $0xffff  }
0xb4: {  	v22 =	vld.idx.msk [tilespmem:v5+s3+$0xFFFFFC80 ss:$0x1], $0xffff  }
0xb5: {  	v19 =	vld.idx.msk [tilespmem:v5+s3+$0xFFFFFD00 ss:$0x1], $0xffff  }
0xb6: {  	v20 =	vld.idx.msk [tilespmem:v5+s3+$0xFFFFFD80 ss:$0x1], $0xffff  }
0xb7: {  	v14 =	vld.idx.msk [tilespmem:v7+s3+$0x600 ss:$0x1], $0xffff  }
0xb8: {  	v28 =	vld.idx.msk [tilespmem:v7+s3+$0x680 ss:$0x1], $0xffff  }
0xb9: {  	v24 =	vld.idx.msk [tilespmem:v7+s3+$0x700 ss:$0x1], $0xffff  }
0xba: {  	v23 =	vld.idx.msk [tilespmem:v7+s3+$0x780 ss:$0x1], $0xffff  }
0xbb: {  	v30 =	vld.idx.msk [tilespmem:v7+s3+$0x400 ss:$0x1], $0xffff  }
0xbc: {  	v31 =	vld.idx.msk [tilespmem:v7+s3+$0x480 ss:$0x1], $0xffff  }
0xbd: {  	v26 =	vld.idx.msk [tilespmem:v7+s3+$0x500 ss:$0x1], $0xffff  }
0xbe: {  	v25 =	vld.idx.msk [tilespmem:v7+s3+$0x580 ss:$0x1], $0xffff  }
0xbf: {  	v32 =	vld.idx.msk [tilespmem:v7+s3+$0x200 ss:$0x1], $0xffff  }
0xc0: {  	v33 =	vld.idx.msk [tilespmem:v7+s3+$0x280 ss:$0x1], $0xffff  }
0xc1: {  	v29 =	vld.idx.msk [tilespmem:v7+s3+$0x300 ss:$0x1], $0xffff  }
0xc2: {  	v27 =	vld.idx.msk [tilespmem:v7+s3+$0x380 ss:$0x1], $0xffff  }
0xc3: {  	v35 =	vld.idx.msk [tilespmem:v7+s3+$0x0 ss:$0x1], $0xffff  }
0xc4: {  	v36 =	vld.idx.msk [tilespmem:v7+s3+$0x80 ss:$0x1], $0xffff  }
0xc5: {  	v37 =	vld.idx.msk [tilespmem:v7+s3+$0x100 ss:$0x1], $0xffff  }
0xc6: {  	v13 =	vimm.f32 $0.0e+00;
	v38 =	vld.idx.msk [tilespmem:v7+s3+$0x180 ss:$0x1], $0xffff  }
0xc7: {  	s29 =	sshll.u32 s25, $0x4;
	s30 =	simm.s32 $0x2000;
	v16 =	vimm.f32 $0.0e+00;
	v15 =	vimm.f32 $0.0e+00;
	v34 =	vld.idx.msk [tilespmem:v14+s5+$0x0], $0xffff;
	v14 =	vimm.f32 $0.0e+00  }
.LBB2_8:
0xc8: {  	p0 =	sne.s32 s30, $0x6000;
	v28 =	vld.idx.msk [tilespmem:v28+s5+$0x0], $0xffff  }
0xc9: {  	v30 =	vld.idx.msk [tilespmem:v30+s5+$0x0], $0xffff  }
0xca: {  	v31 =	vld.idx.msk [tilespmem:v31+s5+$0x0], $0xffff  }
0xcb: {  	v32 =	vld.idx.msk [tilespmem:v32+s5+$0x0], $0xffff  }
0xcc: {  	v33 =	vld.idx.msk [tilespmem:v33+s5+$0x0], $0xffff  }
0xcd: {  	v35 =	vld.idx.msk [tilespmem:v35+s5+$0x0], $0xffff  }
0xce: {  	v36 =	vld.idx.msk [tilespmem:v36+s5+$0x0], $0xffff  }
0xcf: {  	v37 =	vld.idx.msk [tilespmem:v37+s5+$0x0], $0xffff  }
0xd0: {  	v38 =	vld.idx.msk [tilespmem:v38+s5+$0x0], $0xffff  }
0xd1: {  	v29 =	vld.idx.msk [tilespmem:v29+s5+$0x0], $0xffff  }
0xd2: {  	v34 =	vmul.f32 v34, v6;
	v28 =	vmul.f32 v28, v8;
	v27 =	vld.idx.msk [tilespmem:v27+s5+$0x0], $0xffff  }
0xd3: {  	v30 =	vmul.f32 v30, v11;
	v12 =	vmul.f32 v31, v12;
	v11 =	vld.idx.msk [tilespmem:v26+s5+$0x0], $0xffff  }
0xd4: {  	v17 =	vmul.f32 v32, v17;
	v18 =	vmul.f32 v33, v18;
	v25 =	vld.idx.msk [tilespmem:v25+s5+$0x0], $0xffff  }
0xd5: {  	v8 =	vmul.f32 v35, v21;
	v21 =	vmul.f32 v36, v22;
	v22 =	vld.idx.msk [tilespmem:v24+s5+$0x0], $0xffff  }
0xd6: {  	s3 =	sshra.s32 s30, $0x2;
	v19 =	vmul.f32 v37, v19;
	v20 =	vmul.f32 v38, v20;
	v23 =	vld.idx.msk [tilespmem:v23+s5+$0x0], $0xffff  }
0xd7: {  	v13 =	vadd.f32 v8, v13;
	v16 =	vadd.f32 v21, v16;
	v10 =	vmul.f32 v29, v10;
	v6 =	vld.idx.msk [tilespmem:v5+s3+$0x200 ss:$0x1], $0xffff  }
0xd8: {  	v14 =	vadd.f32 v19, v14;
	v15 =	vadd.f32 v20, v15;
	v9 =	vmul.f32 v27, v9;
	v8 =	vld.idx.msk [tilespmem:v5+s3+$0x280 ss:$0x1], $0xffff  }
0xd9: {  	v13 =	vadd.f32 v17, v13;
	v16 =	vadd.f32 v18, v16;
	v4 =	vmul.f32 v11, v4;
	v19 =	vld.idx.msk [tilespmem:v5+s3+$0x300 ss:$0x1], $0xffff  }
0xda: {  	v10 =	vadd.f32 v10, v14;
	v9 =	vadd.f32 v9, v15;
	v3 =	vmul.f32 v25, v3;
	v20 =	vld.idx.msk [tilespmem:v5+s3+$0x380 ss:$0x1], $0xffff  }
0xdb: {  	v13 =	vadd.f32 v30, v13;
	v14 =	vadd.f32 v12, v16;
	v2 =	vmul.f32 v22, v2;
	v11 =	vld.idx.msk [tilespmem:v5+s3+$0x0 ss:$0x1], $0xffff  }
0xdc: {  	v10 =	vadd.f32 v4, v10;
	v9 =	vadd.f32 v3, v9;
	v1 =	vmul.f32 v23, v1;
	v12 =	vld.idx.msk [tilespmem:v5+s3+$0x80 ss:$0x1], $0xffff  }
0xdd: {  	v13 =	vadd.f32 v34, v13;
	v16 =	vadd.f32 v28, v14;
	v4 =	vld.idx.msk [tilespmem:v5+s3+$0x100 ss:$0x1], $0xffff  }
0xde: {  	v14 =	vadd.f32 v2, v10;
	v15 =	vadd.f32 v1, v9;
	v3 =	vld.idx.msk [tilespmem:v5+s3+$0x180 ss:$0x1], $0xffff  }
0xdf: {  	v2 =	vmov v19;
	v17 =	vld.idx.msk [tilespmem:v5+s3+$0xFFFFFE00 ss:$0x1], $0xffff  }
0xe0: {  	v1 =	vmov v20;
	v18 =	vld.idx.msk [tilespmem:v5+s3+$0xFFFFFE80 ss:$0x1], $0xffff  }
0xe1: {  	v10 =	vld.idx.msk [tilespmem:v5+s3+$0xFFFFFF00 ss:$0x1], $0xffff  }
0xe2: {  	v9 =	vld.idx.msk [tilespmem:v5+s3+$0xFFFFFF80 ss:$0x1], $0xffff  }
0xe3: {  	v21 =	vld.idx.msk [tilespmem:v5+s3+$0xFFFFFC00 ss:$0x1], $0xffff  }
0xe4: {  	v22 =	vld.idx.msk [tilespmem:v5+s3+$0xFFFFFC80 ss:$0x1], $0xffff  }
0xe5: {  	v19 =	vld.idx.msk [tilespmem:v5+s3+$0xFFFFFD00 ss:$0x1], $0xffff  }
0xe6: {  	v20 =	vld.idx.msk [tilespmem:v5+s3+$0xFFFFFD80 ss:$0x1], $0xffff  }
0xe7: {  	v34 =	vld.idx.msk [tilespmem:v7+s3+$0x600 ss:$0x1], $0xffff  }
0xe8: {  	v28 =	vld.idx.msk [tilespmem:v7+s3+$0x680 ss:$0x1], $0xffff  }
0xe9: {  	v24 =	vld.idx.msk [tilespmem:v7+s3+$0x700 ss:$0x1], $0xffff  }
0xea: {  	v23 =	vld.idx.msk [tilespmem:v7+s3+$0x780 ss:$0x1], $0xffff  }
0xeb: {  	v30 =	vld.idx.msk [tilespmem:v7+s3+$0x400 ss:$0x1], $0xffff  }
0xec: {  	v31 =	vld.idx.msk [tilespmem:v7+s3+$0x480 ss:$0x1], $0xffff  }
0xed: {  	v26 =	vld.idx.msk [tilespmem:v7+s3+$0x500 ss:$0x1], $0xffff  }
0xee: {  	v25 =	vld.idx.msk [tilespmem:v7+s3+$0x580 ss:$0x1], $0xffff  }
0xef: {  	v32 =	vld.idx.msk [tilespmem:v7+s3+$0x200 ss:$0x1], $0xffff  }
0xf0: {  	v33 =	vld.idx.msk [tilespmem:v7+s3+$0x280 ss:$0x1], $0xffff  }
0xf1: {  	v29 =	vld.idx.msk [tilespmem:v7+s3+$0x300 ss:$0x1], $0xffff  }
0xf2: {  	v27 =	vld.idx.msk [tilespmem:v7+s3+$0x380 ss:$0x1], $0xffff  }
.Ltmp2:
0xf3: {  	v35 =	vld.idx.msk [tilespmem:v7+s3+$0x0 ss:$0x1], $0xffff;
	(pc) =	sbr.rel @p0 .LBB2_8-.Ltmp2, $4  }
0xf4: {  	v36 =	vld.idx.msk [tilespmem:v7+s3+$0x80 ss:$0x1], $0xffff  }
0xf5: {  	v37 =	vld.idx.msk [tilespmem:v7+s3+$0x100 ss:$0x1], $0xffff  }
0xf6: {  	v38 =	vld.idx.msk [tilespmem:v7+s3+$0x180 ss:$0x1], $0xffff  }
0xf7: {  	s30 =	sadd.s32 $0x2000, s30;
	v34 =	vld.idx.msk [tilespmem:v34+s5+$0x0], $0xffff  }
0xf8: {  	_ =	sdelay $0x3  }
0xf9: {  	v5 =	vld.idx.msk [tilespmem:v28+s5+$0x0], $0xffff  }
0xfa: {  	v7 =	vld.idx.msk [tilespmem:v30+s5+$0x0], $0xffff  }
0xfb: {  	v51 =	vld.idx.msk [tilespmem:v31+s5+$0x0], $0xffff  }
0xfc: {  	v52 =	vld.idx.msk [tilespmem:v32+s5+$0x0], $0xffff  }
0xfd: {  	v53 =	vld.idx.msk [tilespmem:v33+s5+$0x0], $0xffff  }
0xfe: {  	v54 =	vld.idx.msk [tilespmem:v35+s5+$0x0], $0xffff  }
0xff: {  	v55 =	vld.idx.msk [tilespmem:v36+s5+$0x0], $0xffff  }
0x100: {  	v56 =	vld.idx.msk [tilespmem:v37+s5+$0x0], $0xffff  }
0x101: {  	v57 =	vld.idx.msk [tilespmem:v38+s5+$0x0], $0xffff  }
0x102: {  	v29 =	vld.idx.msk [tilespmem:v29+s5+$0x0], $0xffff;
	v6 =	vmul.f32 v34, v6;
	v5 =	vmul.f32 v5, v8  }
0x103: {  	v58 =	vld.idx.msk [tilespmem:v27+s5+$0x0], $0xffff;
	v7 =	vmul.f32 v7, v11;
	v59 =	vmul.f32 v51, v12  }
0x104: {  	v60 =	vld.idx.msk [tilespmem:v26+s5+$0x0], $0xffff;
	v17 =	vmul.f32 v52, v17;
	v18 =	vmul.f32 v53, v18  }
0x105: {  	v25 =	vld.idx.msk [tilespmem:v25+s5+$0x0], $0xffff;
	v21 =	vmul.f32 v54, v21;
	v22 =	vmul.f32 v55, v22  }
0x106: {  	v24 =	vld.idx.msk [tilespmem:v24+s5+$0x0], $0xffff;
	v19 =	vmul.f32 v56, v19;
	v20 =	vmul.f32 v57, v20  }
0x107: {  	v23 =	vld.idx.msk [tilespmem:v23+s5+$0x0], $0xffff;
	v10 =	vmul.f32 v29, v10;
	v13 =	vadd.f32 v21, v13;
	v16 =	vadd.f32 v22, v16  }
0x108: {  	v8 =	vmul.f32 v58, v9;
	v14 =	vadd.f32 v19, v14;
	v15 =	vadd.f32 v20, v15  }
0x109: {  	v4 =	vmul.f32 v60, v4;
	v61 =	vadd.f32 v17, v13;
	v62 =	vadd.f32 v18, v16  }
0x10a: {  	v3 =	vmul.f32 v25, v3;
	v10 =	vadd.f32 v10, v14;
	v8 =	vadd.f32 v8, v15  }
0x10b: {  	v2 =	vmul.f32 v24, v2;
	v7 =	vadd.f32 v7, v61;
	v63 =	vadd.f32 v59, v62  }
0x10c: {  	v1 =	vmul.f32 v23, v1;
	v4 =	vadd.f32 v4, v10;
	v3 =	vadd.f32 v3, v8  }
0x10d: {  	v6 =	vadd.f32 v6, v7;
	v5 =	vadd.f32 v5, v63  }
0x10e: {  	s25 =	sadd.s32 $0x1, s25;
	v2 =	vadd.f32 v2, v4;
	v1 =	vadd.f32 v1, v3  }
0x10f: {  	p0 =	sne.s32 s25, $0x8  }
.Ltmp3:
0x110: {  	v3 =	vadd.f32 v5, v6;
	v1 =	vadd.f32 v1, v2;
	(pc) =	sbr.rel @p0 .LBB2_7-.Ltmp3, $3  }
0x111: {  	_ = 	snop  }
0x112: {  	v1 =	vadd.f32 v1, v3;
	_ =	sdelay $0x1  }
0x113: {  	s26 =	sadd.s32 $0x10, s26;
	s28 =	sadd.s32 $0x10, s28;
	[tilespmem:v0+s29+$0x0 ss:$0x1] =	vst.idx.msk $0xffff, v1  }
0x114: {  	s24 =	sadd.s32 $0x1, s24  }
0x115: {  	p0 =	sne.s32 s24, $0x8  }
.Ltmp4:
0x116: {  	_ = 	snop;
	(pc) =	sbr.rel @p0 .LBB2_2-.Ltmp4, $1  }
0x117: {  	_ =	sdelay $0x3  }
0x118: {  	s23 =	sadd.s32 $0x1, s23  }
0x119: {  	p0 =	sne.s32 s23, s12  }
.Ltmp5:
0x11a: {  	_ = 	snop;
	(pc) =	sbr.rel @p0 .LBB2_1-.Ltmp5, $4  }
0x11b: {  	[hbm4b:s11+s21] =	stream.strided.scatter [tilespmem:s22], [sflag:$0x3], $0x800, s13, s21, $0x38;
	[tilespmem:$0x18800] =	vst v63  }
0x11c: {  	_ =	swait.ge [sflag:s17], $0x800  }
0x11d: {  	[sflag:s17] =	ssyncset.done $0x0  }
0x11e: {  	[sflag:s17] =	ssyncadd.s32 $0xFFFFF800  }
0x11f: {  	_ =	sfence.sel $0x180000  }
0x120: {  	[bflag:$0x0] =	sbarrier.arrive $0xFFFF  }
0x121: {  	_ =	strace $0x90000047  }
0x122: {  	[bflag:$0x2] =	sbarrier.arrive $0xFFFF  }
0x123: {  	p0 =	sne.s32 s0, $0x0;
	s0 =	rddreg [dreg:$0x4]  }
0x124: {  	s0 =	sadd.s32 @!p0 $0x100000, s0  }
0x125: {  	[sflag:s0] =	ssyncadd.tile.s32 @!p0 $0x1;
	_ =	shalt  }
.Lfunc_end2:
_tile_overlayer_lowered:
.L_overlay_start_2:
0x126: {  	(tag) =	ssettag $0x2  }
0x127: {  	s0 =	rddreg [dreg:$0x0];
	s2 =	stileid.u32  }
0x128: {  	s1 =	rddreg [dreg:$0x1];
	p0 =	sne.s32 s2, $0x0  }
0x129: {  	s3 =	rddreg [dreg:$0x2];
	[bflag:$0x3] =	sbarrier.arrive $0xFFFF;
	s2 =	simm.s32 @!p0 $0x1C03  }
0x12a: {  	[timem:s3], [sflag:s2] =	dma.local @!p0 [hbm:s0], s1  }
0x12b: {  	s0 =	simm.s32 @!p0 $0x3  }
0x12c: {  	_ =	swait.ge @!p0 [sflag:s0], s1  }
0x12d: {  	s1 =	ssub.s32 @!p0 $0x0, s1;
	[sflag:s0] =	ssyncset.done @!p0 $0x0  }
0x12e: {  	[sflag:s0] =	ssyncadd.s32 @!p0 s1  }
0x12f: {  	[bflag:$0x3] =	sbarrier.arrive $0xFFFF  }
0x130: {  	_ =	shalt  }

</sc_bundles>
